<compile_context>
chip_gen: v7x
topology: tpu7x:2x2x1
jax: 0.10.2.dev20260603
libtpu: 0.0.44.dev20260713+nightly
codegen_flags: <defaults>
</compile_context>

<pallas_src>
import functools

import jax
import jax.numpy as jnp
import numpy as np
from jax import lax
from jax.experimental import pallas as pl
from jax.experimental.pallas import tpu as pltpu
from jax.experimental.pallas import tpu_sc as plsc

NUM_EMB = 1_000_000
DIM = 32
ROWS = 16384
COLS = 26
B_TOTAL = ROWS * COLS
NC = 2
NS = 16
NW = NC * NS
B_PER_W = B_TOTAL // NW
CHUNK = 128
N_CHUNKS = B_PER_W // CHUNK
NBUF = 13
N_GROUPS = N_CHUNKS // NBUF
OUT_SUBROWS = ROWS * 32 * 128 // DIM


def _emb_body(idx_hbm, qidx_hbm, table_hbm, out_hbm, idx_v, qidx_v, rows_v,
              *sems):
    gsems = sems[:NBUF]
    wsems = sems[NBUF:]
    wid = lax.axis_index("s") * NC + lax.axis_index("c")

    pltpu.sync_copy(idx_hbm.at[wid], idx_v)
    pltpu.sync_copy(qidx_hbm.at[wid], qidx_v)

    def gather(j, b):
        pltpu.make_async_copy(
            table_hbm.at[idx_v.at[j]], rows_v.at[b], gsems[b]
        ).start()

    def gather_wait(j, b):
        pltpu.make_async_copy(
            table_hbm.at[idx_v.at[j]], rows_v.at[b], gsems[b]
        ).wait()

    def write(j, b):
        pltpu.make_async_copy(
            rows_v.at[b], out_hbm.at[qidx_v.at[j]], wsems[b]
        ).start()

    def write_wait(j, b):
        pltpu.make_async_copy(
            rows_v.at[b], out_hbm.at[qidx_v.at[j]], wsems[b]
        ).wait()

    for b in range(NBUF - 1):
        gather(b, b)

    def body(g, carry):
        j0 = g * NBUF
        for b in range(NBUF):
            j = j0 + b
            gather_wait(j, b)
            write(j, b)
            bp = (b - 1) % NBUF
            jn = j + NBUF - 1

            if b == 0:
                @pl.when(j >= 1)
                def _():
                    write_wait(j - 1, bp)

                gather(jn, bp)
            else:
                @pl.when(jn < N_CHUNKS)
                def _():
                    write_wait(j - 1, bp)
                    gather(jn, bp)

        return carry

    lax.fori_loop(0, N_GROUPS, body, 0)

    for b in range(NBUF):
        write_wait(N_CHUNKS - NBUF + b, b)


_T = np.arange(B_TOTAL, dtype=np.int64)
_QIDX3 = ((_T // COLS) * 128 + (_T % COLS) * (128 // DIM)).astype(
    np.int32).reshape(NW, N_CHUNKS, CHUNK)


def kernel(input, weight):
    idx = input.reshape(-1).astype(jnp.int32)
    idx3 = idx.reshape(NW, N_CHUNKS, CHUNK)
    qidx3 = jnp.asarray(_QIDX3)

    mesh = plsc.VectorSubcoreMesh(core_axis_name="c", subcore_axis_name="s")
    run = pl.kernel(
        _emb_body,
        out_type=jax.ShapeDtypeStruct((OUT_SUBROWS, DIM), jnp.float32),
        mesh=mesh,
        scratch_types=[
            pltpu.VMEM((N_CHUNKS, CHUNK), jnp.int32),
            pltpu.VMEM((N_CHUNKS, CHUNK), jnp.int32),
            pltpu.VMEM((NBUF, CHUNK, DIM), jnp.float32),
        ]
        + [pltpu.SemaphoreType.DMA] * (2 * NBUF),
        compiler_params=pltpu.CompilerParams(use_tc_tiling_on_sc=False),
    )
    out = run(idx3, qidx3, weight)
    return out.reshape(ROWS, 32, 128)[:, :COLS, :DIM]

# --- scband reference (transcript-rebuilt; emitter-appended) ---
"""Pipeline reference for scband-embedding-9818295238695 (READ-ONLY COPY).

The authoritative reference and input builder live on the scoring server;
editing this copy changes nothing except your own understanding.
"""

import jax, jax.numpy as jnp
import numpy as np

NUM_EMBEDDINGS = 1000000
EMBEDDING_DIM = 32

def setup_inputs(seed: int = 0) -> dict:
    key = jax.random.key(seed)
    k_idx, k_w = jax.random.split(key)
    input_idx = jax.random.randint(k_idx, (16384, 26), 0, NUM_EMBEDDINGS, dtype=jnp.int64 if jax.config.jax_enable_x64 else jnp.int32)
    # truncated normal init, mean=0, std=1, a=-3, b=3
    weight = jax.random.truncated_normal(k_w, -3.0, 3.0, (NUM_EMBEDDINGS, EMBEDDING_DIM), dtype=jnp.float32)
    return {"input": input_idx, "weight": weight}

def reference(input, weight):
    # Embedding lookup: weight[input]
    return jnp.take(weight, input, axis=0)

if __name__ == "__main__":
    import jax
    _d = setup_inputs()
    print(jax.jit(kernel)(*tuple(_d.values())))

</pallas_src>

<mosaic_0001>
#map = affine_map<(d0, d1) -> (0, 0, 0)>
#map1 = affine_map<(d0, d1) -> (0, 0)>
module attributes {stable_mosaic.version = 14 : i64} {
  func.func @_emb_body(%arg0: i32, %arg1: i32, %arg2: memref<32x104x128xi32, #tpu.memory_space<hbm>>, %arg3: memref<32x104x128xi32, #tpu.memory_space<hbm>>, %arg4: memref<1000000x32xf32, #tpu.memory_space<hbm>>, %arg5: memref<2097152x32xf32, #tpu.memory_space<hbm>>, %arg6: memref<104x128xi32, #tpu.memory_space<vmem>>, %arg7: memref<104x128xi32, #tpu.memory_space<vmem>>, %arg8: memref<13x128x32xf32, #tpu.memory_space<vmem>>, %arg9: memref<!tpu.dma_semaphore, #tpu.memory_space<semaphore_mem>>, %arg10: memref<!tpu.dma_semaphore, #tpu.memory_space<semaphore_mem>>, %arg11: memref<!tpu.dma_semaphore, #tpu.memory_space<semaphore_mem>>, %arg12: memref<!tpu.dma_semaphore, #tpu.memory_space<semaphore_mem>>, %arg13: memref<!tpu.dma_semaphore, #tpu.memory_space<semaphore_mem>>, %arg14: memref<!tpu.dma_semaphore, #tpu.memory_space<semaphore_mem>>, %arg15: memref<!tpu.dma_semaphore, #tpu.memory_space<semaphore_mem>>, %arg16: memref<!tpu.dma_semaphore, #tpu.memory_space<semaphore_mem>>, %arg17: memref<!tpu.dma_semaphore, #tpu.memory_space<semaphore_mem>>, %arg18: memref<!tpu.dma_semaphore, #tpu.memory_space<semaphore_mem>>, %arg19: memref<!tpu.dma_semaphore, #tpu.memory_space<semaphore_mem>>, %arg20: memref<!tpu.dma_semaphore, #tpu.memory_space<semaphore_mem>>, %arg21: memref<!tpu.dma_semaphore, #tpu.memory_space<semaphore_mem>>, %arg22: memref<!tpu.dma_semaphore, #tpu.memory_space<semaphore_mem>>, %arg23: memref<!tpu.dma_semaphore, #tpu.memory_space<semaphore_mem>>, %arg24: memref<!tpu.dma_semaphore, #tpu.memory_space<semaphore_mem>>, %arg25: memref<!tpu.dma_semaphore, #tpu.memory_space<semaphore_mem>>, %arg26: memref<!tpu.dma_semaphore, #tpu.memory_space<semaphore_mem>>, %arg27: memref<!tpu.dma_semaphore, #tpu.memory_space<semaphore_mem>>, %arg28: memref<!tpu.dma_semaphore, #tpu.memory_space<semaphore_mem>>, %arg29: memref<!tpu.dma_semaphore, #tpu.memory_space<semaphore_mem>>, %arg30: memref<!tpu.dma_semaphore, #tpu.memory_space<semaphore_mem>>, %arg31: memref<!tpu.dma_semaphore, #tpu.memory_space<semaphore_mem>>, %arg32: memref<!tpu.dma_semaphore, #tpu.memory_space<semaphore_mem>>, %arg33: memref<!tpu.dma_semaphore, #tpu.memory_space<semaphore_mem>>, %arg34: memref<!tpu.dma_semaphore, #tpu.memory_space<semaphore_mem>>) attributes {dimension_semantics = [#tpu.dimension_semantics<core_parallel>, #tpu.dimension_semantics<subcore_parallel>], iteration_bounds = array<i64: 2, 16>, scalar_prefetch = 0 : i64, scratch_operands = 29 : i64, tpu.core_type = #tpu.core_type<sc_vector_subcore>, window_params = [{transform_indices = #map}, {transform_indices = #map}, {transform_indices = #map1}, {transform_indices = #map1}]} {
    %mul3A = arith.constant 2 : i32
    %mul3A_0 = arith.muli %arg1, %mul3A : i32
    %add3A = arith.addi %mul3A_0, %arg0 : i32
    "tpu.region"() ({
      %run_scoped3A = tpu.sem_alloc : memref<!tpu.dma_semaphore, #tpu.memory_space<semaphore_mem>>
      %dma_start3A_304 = arith.constant 0 : i32
      %dma_start3A_305 = arith.constant 0 : i32
      %dma_start3A_306 = tpu.memref_slice %arg2[%add3A, %dma_start3A_304, %dma_start3A_305] : memref<32x104x128xi32, #tpu.memory_space<hbm>> -> memref<1x104x128xi32, #tpu.memory_space<hbm>>
      %dma_start3A_307 = tpu.memref_squeeze %dma_start3A_306 : memref<1x104x128xi32, #tpu.memory_space<hbm>> -> memref<104x128xi32, #tpu.memory_space<hbm>>
      %dma_start3A_308 = arith.constant 0 : i32
      %dma_start3A_309 = arith.constant 0 : i32
      %dma_start3A_310 = tpu.memref_slice %arg2[%add3A, %dma_start3A_308, %dma_start3A_309] : memref<32x104x128xi32, #tpu.memory_space<hbm>> -> memref<1x104x128xi32, #tpu.memory_space<hbm>>
      %dma_start3A_311 = tpu.memref_squeeze %dma_start3A_310 : memref<1x104x128xi32, #tpu.memory_space<hbm>> -> memref<104x128xi32, #tpu.memory_space<hbm>>
      tpu.enqueue_dma source(%dma_start3A_311 : memref<104x128xi32, #tpu.memory_space<hbm>>) target(%arg6 : memref<104x128xi32, #tpu.memory_space<vmem>>) target_semaphore(%run_scoped3A : memref<!tpu.dma_semaphore, #tpu.memory_space<semaphore_mem>>)
      %dma_wait3A_312 = arith.constant 0 : i32
      %dma_wait3A_313 = arith.constant 0 : i32
      %dma_wait3A_314 = tpu.memref_slice %arg2[%add3A, %dma_wait3A_312, %dma_wait3A_313] : memref<32x104x128xi32, #tpu.memory_space<hbm>> -> memref<1x104x128xi32, #tpu.memory_space<hbm>>
      %dma_wait3A_315 = tpu.memref_squeeze %dma_wait3A_314 : memref<1x104x128xi32, #tpu.memory_space<hbm>> -> memref<104x128xi32, #tpu.memory_space<hbm>>
      %dma_wait3A_316 = arith.constant 0 : i32
      %dma_wait3A_317 = arith.constant 0 : i32
      %dma_wait3A_318 = tpu.memref_slice %arg2[%add3A, %dma_wait3A_316, %dma_wait3A_317] : memref<32x104x128xi32, #tpu.memory_space<hbm>> -> memref<1x104x128xi32, #tpu.memory_space<hbm>>
      %dma_wait3A_319 = tpu.memref_squeeze %dma_wait3A_318 : memref<1x104x128xi32, #tpu.memory_space<hbm>> -> memref<104x128xi32, #tpu.memory_space<hbm>>
      tpu.wait_dma2 semaphore(%run_scoped3A : memref<!tpu.dma_semaphore, #tpu.memory_space<semaphore_mem>>) src(%dma_wait3A_319 : memref<104x128xi32, #tpu.memory_space<hbm>>) dst(%arg6 : memref<104x128xi32, #tpu.memory_space<vmem>>)
      tpu.yield
    }) : () -> ()
    "tpu.region"() ({
      %run_scoped3A = tpu.sem_alloc : memref<!tpu.dma_semaphore, #tpu.memory_space<semaphore_mem>>
      %dma_start3A_304 = arith.constant 0 : i32
      %dma_start3A_305 = arith.constant 0 : i32
      %dma_start3A_306 = tpu.memref_slice %arg3[%add3A, %dma_start3A_304, %dma_start3A_305] : memref<32x104x128xi32, #tpu.memory_space<hbm>> -> memref<1x104x128xi32, #tpu.memory_space<hbm>>
      %dma_start3A_307 = tpu.memref_squeeze %dma_start3A_306 : memref<1x104x128xi32, #tpu.memory_space<hbm>> -> memref<104x128xi32, #tpu.memory_space<hbm>>
      %dma_start3A_308 = arith.constant 0 : i32
      %dma_start3A_309 = arith.constant 0 : i32
      %dma_start3A_310 = tpu.memref_slice %arg3[%add3A, %dma_start3A_308, %dma_start3A_309] : memref<32x104x128xi32, #tpu.memory_space<hbm>> -> memref<1x104x128xi32, #tpu.memory_space<hbm>>
      %dma_start3A_311 = tpu.memref_squeeze %dma_start3A_310 : memref<1x104x128xi32, #tpu.memory_space<hbm>> -> memref<104x128xi32, #tpu.memory_space<hbm>>
      tpu.enqueue_dma source(%dma_start3A_311 : memref<104x128xi32, #tpu.memory_space<hbm>>) target(%arg7 : memref<104x128xi32, #tpu.memory_space<vmem>>) target_semaphore(%run_scoped3A : memref<!tpu.dma_semaphore, #tpu.memory_space<semaphore_mem>>)
      %dma_wait3A_312 = arith.constant 0 : i32
      %dma_wait3A_313 = arith.constant 0 : i32
      %dma_wait3A_314 = tpu.memref_slice %arg3[%add3A, %dma_wait3A_312, %dma_wait3A_313] : memref<32x104x128xi32, #tpu.memory_space<hbm>> -> memref<1x104x128xi32, #tpu.memory_space<hbm>>
      %dma_wait3A_315 = tpu.memref_squeeze %dma_wait3A_314 : memref<1x104x128xi32, #tpu.memory_space<hbm>> -> memref<104x128xi32, #tpu.memory_space<hbm>>
      %dma_wait3A_316 = arith.constant 0 : i32
      %dma_wait3A_317 = arith.constant 0 : i32
      %dma_wait3A_318 = tpu.memref_slice %arg3[%add3A, %dma_wait3A_316, %dma_wait3A_317] : memref<32x104x128xi32, #tpu.memory_space<hbm>> -> memref<1x104x128xi32, #tpu.memory_space<hbm>>
      %dma_wait3A_319 = tpu.memref_squeeze %dma_wait3A_318 : memref<1x104x128xi32, #tpu.memory_space<hbm>> -> memref<104x128xi32, #tpu.memory_space<hbm>>
      tpu.wait_dma2 semaphore(%run_scoped3A : memref<!tpu.dma_semaphore, #tpu.memory_space<semaphore_mem>>) src(%dma_wait3A_319 : memref<104x128xi32, #tpu.memory_space<hbm>>) dst(%arg7 : memref<104x128xi32, #tpu.memory_space<vmem>>)
      tpu.yield
    }) : () -> ()
    %dma_start3A = arith.constant 0 : i32
    %dma_start3A_1 = arith.constant 0 : i32
    %dma_start3A_2 = arith.constant 0 : i32
    %dma_start3A_3 = arith.constant 0 : i32
    %dma_start3A_4 = tpu.memref_slice %arg8[%dma_start3A_1, %dma_start3A_2, %dma_start3A_3] : memref<13x128x32xf32, #tpu.memory_space<vmem>> -> memref<1x128x32xf32, #tpu.memory_space<vmem>>
    %dma_start3A_5 = tpu.memref_squeeze %dma_start3A_4 : memref<1x128x32xf32, #tpu.memory_space<vmem>> -> memref<128x32xf32, #tpu.memory_space<vmem>>
    %dma_start3A_6 = arith.constant 0 : i32
    %dma_start3A_7 = tpu.memref_slice %arg6[%dma_start3A, %dma_start3A_6] : memref<104x128xi32, #tpu.memory_space<vmem>> -> memref<1x128xi32, #tpu.memory_space<vmem>>
    %dma_start3A_8 = tpu.memref_squeeze %dma_start3A_7 : memref<1x128xi32, #tpu.memory_space<vmem>> -> memref<128xi32, #tpu.memory_space<vmem>>
    %dma_start3A_9 = arith.constant 0 : i32
    %dma_start3A_10 = arith.constant 0 : i32
    %dma_start3A_11 = tpu.memref_slice %arg4[%dma_start3A_9, %dma_start3A_10] : memref<1000000x32xf32, #tpu.memory_space<hbm>> -> memref<1000000x32xf32, #tpu.memory_space<hbm>>
    tpu.enqueue_indirect_dma source(%dma_start3A_11 : memref<1000000x32xf32, #tpu.memory_space<hbm>>) target(%dma_start3A_5 : memref<128x32xf32, #tpu.memory_space<vmem>>) offsets(%dma_start3A_8 : memref<128xi32, #tpu.memory_space<vmem>>) semaphore(%arg9 : memref<!tpu.dma_semaphore, #tpu.memory_space<semaphore_mem>>)
    %dma_start3A_12 = arith.constant 1 : i32
    %dma_start3A_13 = arith.constant 1 : i32
    %dma_start3A_14 = arith.constant 0 : i32
    %dma_start3A_15 = arith.constant 0 : i32
    %dma_start3A_16 = tpu.memref_slice %arg8[%dma_start3A_13, %dma_start3A_14, %dma_start3A_15] : memref<13x128x32xf32, #tpu.memory_space<vmem>> -> memref<1x128x32xf32, #tpu.memory_space<vmem>>
    %dma_start3A_17 = tpu.memref_squeeze %dma_start3A_16 : memref<1x128x32xf32, #tpu.memory_space<vmem>> -> memref<128x32xf32, #tpu.memory_space<vmem>>
    %dma_start3A_18 = arith.constant 0 : i32
    %dma_start3A_19 = tpu.memref_slice %arg6[%dma_start3A_12, %dma_start3A_18] : memref<104x128xi32, #tpu.memory_space<vmem>> -> memref<1x128xi32, #tpu.memory_space<vmem>>
    %dma_start3A_20 = tpu.memref_squeeze %dma_start3A_19 : memref<1x128xi32, #tpu.memory_space<vmem>> -> memref<128xi32, #tpu.memory_space<vmem>>
    %dma_start3A_21 = arith.constant 0 : i32
    %dma_start3A_22 = arith.constant 0 : i32
    %dma_start3A_23 = tpu.memref_slice %arg4[%dma_start3A_21, %dma_start3A_22] : memref<1000000x32xf32, #tpu.memory_space<hbm>> -> memref<1000000x32xf32, #tpu.memory_space<hbm>>
    tpu.enqueue_indirect_dma source(%dma_start3A_23 : memref<1000000x32xf32, #tpu.memory_space<hbm>>) target(%dma_start3A_17 : memref<128x32xf32, #tpu.memory_space<vmem>>) offsets(%dma_start3A_20 : memref<128xi32, #tpu.memory_space<vmem>>) semaphore(%arg10 : memref<!tpu.dma_semaphore, #tpu.memory_space<semaphore_mem>>)
    %dma_start3A_24 = arith.constant 2 : i32
    %dma_start3A_25 = arith.constant 2 : i32
    %dma_start3A_26 = arith.constant 0 : i32
    %dma_start3A_27 = arith.constant 0 : i32
    %dma_start3A_28 = tpu.memref_slice %arg8[%dma_start3A_25, %dma_start3A_26, %dma_start3A_27] : memref<13x128x32xf32, #tpu.memory_space<vmem>> -> memref<1x128x32xf32, #tpu.memory_space<vmem>>
    %dma_start3A_29 = tpu.memref_squeeze %dma_start3A_28 : memref<1x128x32xf32, #tpu.memory_space<vmem>> -> memref<128x32xf32, #tpu.memory_space<vmem>>
    %dma_start3A_30 = arith.constant 0 : i32
    %dma_start3A_31 = tpu.memref_slice %arg6[%dma_start3A_24, %dma_start3A_30] : memref<104x128xi32, #tpu.memory_space<vmem>> -> memref<1x128xi32, #tpu.memory_space<vmem>>
    %dma_start3A_32 = tpu.memref_squeeze %dma_start3A_31 : memref<1x128xi32, #tpu.memory_space<vmem>> -> memref<128xi32, #tpu.memory_space<vmem>>
    %dma_start3A_33 = arith.constant 0 : i32
    %dma_start3A_34 = arith.constant 0 : i32
    %dma_start3A_35 = tpu.memref_slice %arg4[%dma_start3A_33, %dma_start3A_34] : memref<1000000x32xf32, #tpu.memory_space<hbm>> -> memref<1000000x32xf32, #tpu.memory_space<hbm>>
    tpu.enqueue_indirect_dma source(%dma_start3A_35 : memref<1000000x32xf32, #tpu.memory_space<hbm>>) target(%dma_start3A_29 : memref<128x32xf32, #tpu.memory_space<vmem>>) offsets(%dma_start3A_32 : memref<128xi32, #tpu.memory_space<vmem>>) semaphore(%arg11 : memref<!tpu.dma_semaphore, #tpu.memory_space<semaphore_mem>>)
    %dma_start3A_36 = arith.constant 3 : i32
    %dma_start3A_37 = arith.constant 3 : i32
    %dma_start3A_38 = arith.constant 0 : i32
    %dma_start3A_39 = arith.constant 0 : i32
    %dma_start3A_40 = tpu.memref_slice %arg8[%dma_start3A_37, %dma_start3A_38, %dma_start3A_39] : memref<13x128x32xf32, #tpu.memory_space<vmem>> -> memref<1x128x32xf32, #tpu.memory_space<vmem>>
    %dma_start3A_41 = tpu.memref_squeeze %dma_start3A_40 : memref<1x128x32xf32, #tpu.memory_space<vmem>> -> memref<128x32xf32, #tpu.memory_space<vmem>>
    %dma_start3A_42 = arith.constant 0 : i32
    %dma_start3A_43 = tpu.memref_slice %arg6[%dma_start3A_36, %dma_start3A_42] : memref<104x128xi32, #tpu.memory_space<vmem>> -> memref<1x128xi32, #tpu.memory_space<vmem>>
    %dma_start3A_44 = tpu.memref_squeeze %dma_start3A_43 : memref<1x128xi32, #tpu.memory_space<vmem>> -> memref<128xi32, #tpu.memory_space<vmem>>
    %dma_start3A_45 = arith.constant 0 : i32
    %dma_start3A_46 = arith.constant 0 : i32
    %dma_start3A_47 = tpu.memref_slice %arg4[%dma_start3A_45, %dma_start3A_46] : memref<1000000x32xf32, #tpu.memory_space<hbm>> -> memref<1000000x32xf32, #tpu.memory_space<hbm>>
    tpu.enqueue_indirect_dma source(%dma_start3A_47 : memref<1000000x32xf32, #tpu.memory_space<hbm>>) target(%dma_start3A_41 : memref<128x32xf32, #tpu.memory_space<vmem>>) offsets(%dma_start3A_44 : memref<128xi32, #tpu.memory_space<vmem>>) semaphore(%arg12 : memref<!tpu.dma_semaphore, #tpu.memory_space<semaphore_mem>>)
    %dma_start3A_48 = arith.constant 4 : i32
    %dma_start3A_49 = arith.constant 4 : i32
    %dma_start3A_50 = arith.constant 0 : i32
    %dma_start3A_51 = arith.constant 0 : i32
    %dma_start3A_52 = tpu.memref_slice %arg8[%dma_start3A_49, %dma_start3A_50, %dma_start3A_51] : memref<13x128x32xf32, #tpu.memory_space<vmem>> -> memref<1x128x32xf32, #tpu.memory_space<vmem>>
    %dma_start3A_53 = tpu.memref_squeeze %dma_start3A_52 : memref<1x128x32xf32, #tpu.memory_space<vmem>> -> memref<128x32xf32, #tpu.memory_space<vmem>>
    %dma_start3A_54 = arith.constant 0 : i32
    %dma_start3A_55 = tpu.memref_slice %arg6[%dma_start3A_48, %dma_start3A_54] : memref<104x128xi32, #tpu.memory_space<vmem>> -> memref<1x128xi32, #tpu.memory_space<vmem>>
    %dma_start3A_56 = tpu.memref_squeeze %dma_start3A_55 : memref<1x128xi32, #tpu.memory_space<vmem>> -> memref<128xi32, #tpu.memory_space<vmem>>
    %dma_start3A_57 = arith.constant 0 : i32
    %dma_start3A_58 = arith.constant 0 : i32
    %dma_start3A_59 = tpu.memref_slice %arg4[%dma_start3A_57, %dma_start3A_58] : memref<1000000x32xf32, #tpu.memory_space<hbm>> -> memref<1000000x32xf32, #tpu.memory_space<hbm>>
    tpu.enqueue_indirect_dma source(%dma_start3A_59 : memref<1000000x32xf32, #tpu.memory_space<hbm>>) target(%dma_start3A_53 : memref<128x32xf32, #tpu.memory_space<vmem>>) offsets(%dma_start3A_56 : memref<128xi32, #tpu.memory_space<vmem>>) semaphore(%arg13 : memref<!tpu.dma_semaphore, #tpu.memory_space<semaphore_mem>>)
    %dma_start3A_60 = arith.constant 5 : i32
    %dma_start3A_61 = arith.constant 5 : i32
    %dma_start3A_62 = arith.constant 0 : i32
    %dma_start3A_63 = arith.constant 0 : i32
    %dma_start3A_64 = tpu.memref_slice %arg8[%dma_start3A_61, %dma_start3A_62, %dma_start3A_63] : memref<13x128x32xf32, #tpu.memory_space<vmem>> -> memref<1x128x32xf32, #tpu.memory_space<vmem>>
    %dma_start3A_65 = tpu.memref_squeeze %dma_start3A_64 : memref<1x128x32xf32, #tpu.memory_space<vmem>> -> memref<128x32xf32, #tpu.memory_space<vmem>>
    %dma_start3A_66 = arith.constant 0 : i32
    %dma_start3A_67 = tpu.memref_slice %arg6[%dma_start3A_60, %dma_start3A_66] : memref<104x128xi32, #tpu.memory_space<vmem>> -> memref<1x128xi32, #tpu.memory_space<vmem>>
    %dma_start3A_68 = tpu.memref_squeeze %dma_start3A_67 : memref<1x128xi32, #tpu.memory_space<vmem>> -> memref<128xi32, #tpu.memory_space<vmem>>
    %dma_start3A_69 = arith.constant 0 : i32
    %dma_start3A_70 = arith.constant 0 : i32
    %dma_start3A_71 = tpu.memref_slice %arg4[%dma_start3A_69, %dma_start3A_70] : memref<1000000x32xf32, #tpu.memory_space<hbm>> -> memref<1000000x32xf32, #tpu.memory_space<hbm>>
    tpu.enqueue_indirect_dma source(%dma_start3A_71 : memref<1000000x32xf32, #tpu.memory_space<hbm>>) target(%dma_start3A_65 : memref<128x32xf32, #tpu.memory_space<vmem>>) offsets(%dma_start3A_68 : memref<128xi32, #tpu.memory_space<vmem>>) semaphore(%arg14 : memref<!tpu.dma_semaphore, #tpu.memory_space<semaphore_mem>>)
    %dma_start3A_72 = arith.constant 6 : i32
    %dma_start3A_73 = arith.constant 6 : i32
    %dma_start3A_74 = arith.constant 0 : i32
    %dma_start3A_75 = arith.constant 0 : i32
    %dma_start3A_76 = tpu.memref_slice %arg8[%dma_start3A_73, %dma_start3A_74, %dma_start3A_75] : memref<13x128x32xf32, #tpu.memory_space<vmem>> -> memref<1x128x32xf32, #tpu.memory_space<vmem>>
    %dma_start3A_77 = tpu.memref_squeeze %dma_start3A_76 : memref<1x128x32xf32, #tpu.memory_space<vmem>> -> memref<128x32xf32, #tpu.memory_space<vmem>>
    %dma_start3A_78 = arith.constant 0 : i32
    %dma_start3A_79 = tpu.memref_slice %arg6[%dma_start3A_72, %dma_start3A_78] : memref<104x128xi32, #tpu.memory_space<vmem>> -> memref<1x128xi32, #tpu.memory_space<vmem>>
    %dma_start3A_80 = tpu.memref_squeeze %dma_start3A_79 : memref<1x128xi32, #tpu.memory_space<vmem>> -> memref<128xi32, #tpu.memory_space<vmem>>
    %dma_start3A_81 = arith.constant 0 : i32
    %dma_start3A_82 = arith.constant 0 : i32
    %dma_start3A_83 = tpu.memref_slice %arg4[%dma_start3A_81, %dma_start3A_82] : memref<1000000x32xf32, #tpu.memory_space<hbm>> -> memref<1000000x32xf32, #tpu.memory_space<hbm>>
    tpu.enqueue_indirect_dma source(%dma_start3A_83 : memref<1000000x32xf32, #tpu.memory_space<hbm>>) target(%dma_start3A_77 : memref<128x32xf32, #tpu.memory_space<vmem>>) offsets(%dma_start3A_80 : memref<128xi32, #tpu.memory_space<vmem>>) semaphore(%arg15 : memref<!tpu.dma_semaphore, #tpu.memory_space<semaphore_mem>>)
    %dma_start3A_84 = arith.constant 7 : i32
    %dma_start3A_85 = arith.constant 7 : i32
    %dma_start3A_86 = arith.constant 0 : i32
    %dma_start3A_87 = arith.constant 0 : i32
    %dma_start3A_88 = tpu.memref_slice %arg8[%dma_start3A_85, %dma_start3A_86, %dma_start3A_87] : memref<13x128x32xf32, #tpu.memory_space<vmem>> -> memref<1x128x32xf32, #tpu.memory_space<vmem>>
    %dma_start3A_89 = tpu.memref_squeeze %dma_start3A_88 : memref<1x128x32xf32, #tpu.memory_space<vmem>> -> memref<128x32xf32, #tpu.memory_space<vmem>>
    %dma_start3A_90 = arith.constant 0 : i32
    %dma_start3A_91 = tpu.memref_slice %arg6[%dma_start3A_84, %dma_start3A_90] : memref<104x128xi32, #tpu.memory_space<vmem>> -> memref<1x128xi32, #tpu.memory_space<vmem>>
    %dma_start3A_92 = tpu.memref_squeeze %dma_start3A_91 : memref<1x128xi32, #tpu.memory_space<vmem>> -> memref<128xi32, #tpu.memory_space<vmem>>
    %dma_start3A_93 = arith.constant 0 : i32
    %dma_start3A_94 = arith.constant 0 : i32
    %dma_start3A_95 = tpu.memref_slice %arg4[%dma_start3A_93, %dma_start3A_94] : memref<1000000x32xf32, #tpu.memory_space<hbm>> -> memref<1000000x32xf32, #tpu.memory_space<hbm>>
    tpu.enqueue_indirect_dma source(%dma_start3A_95 : memref<1000000x32xf32, #tpu.memory_space<hbm>>) target(%dma_start3A_89 : memref<128x32xf32, #tpu.memory_space<vmem>>) offsets(%dma_start3A_92 : memref<128xi32, #tpu.memory_space<vmem>>) semaphore(%arg16 : memref<!tpu.dma_semaphore, #tpu.memory_space<semaphore_mem>>)
    %dma_start3A_96 = arith.constant 8 : i32
    %dma_start3A_97 = arith.constant 8 : i32
    %dma_start3A_98 = arith.constant 0 : i32
    %dma_start3A_99 = arith.constant 0 : i32
    %dma_start3A_100 = tpu.memref_slice %arg8[%dma_start3A_97, %dma_start3A_98, %dma_start3A_99] : memref<13x128x32xf32, #tpu.memory_space<vmem>> -> memref<1x128x32xf32, #tpu.memory_space<vmem>>
    %dma_start3A_101 = tpu.memref_squeeze %dma_start3A_100 : memref<1x128x32xf32, #tpu.memory_space<vmem>> -> memref<128x32xf32, #tpu.memory_space<vmem>>
    %dma_start3A_102 = arith.constant 0 : i32
    %dma_start3A_103 = tpu.memref_slice %arg6[%dma_start3A_96, %dma_start3A_102] : memref<104x128xi32, #tpu.memory_space<vmem>> -> memref<1x128xi32, #tpu.memory_space<vmem>>
    %dma_start3A_104 = tpu.memref_squeeze %dma_start3A_103 : memref<1x128xi32, #tpu.memory_space<vmem>> -> memref<128xi32, #tpu.memory_space<vmem>>
    %dma_start3A_105 = arith.constant 0 : i32
    %dma_start3A_106 = arith.constant 0 : i32
    %dma_start3A_107 = tpu.memref_slice %arg4[%dma_start3A_105, %dma_start3A_106] : memref<1000000x32xf32, #tpu.memory_space<hbm>> -> memref<1000000x32xf32, #tpu.memory_space<hbm>>
    tpu.enqueue_indirect_dma source(%dma_start3A_107 : memref<1000000x32xf32, #tpu.memory_space<hbm>>) target(%dma_start3A_101 : memref<128x32xf32, #tpu.memory_space<vmem>>) offsets(%dma_start3A_104 : memref<128xi32, #tpu.memory_space<vmem>>) semaphore(%arg17 : memref<!tpu.dma_semaphore, #tpu.memory_space<semaphore_mem>>)
    %dma_start3A_108 = arith.constant 9 : i32
    %dma_start3A_109 = arith.constant 9 : i32
    %dma_start3A_110 = arith.constant 0 : i32
    %dma_start3A_111 = arith.constant 0 : i32
    %dma_start3A_112 = tpu.memref_slice %arg8[%dma_start3A_109, %dma_start3A_110, %dma_start3A_111] : memref<13x128x32xf32, #tpu.memory_space<vmem>> -> memref<1x128x32xf32, #tpu.memory_space<vmem>>
    %dma_start3A_113 = tpu.memref_squeeze %dma_start3A_112 : memref<1x128x32xf32, #tpu.memory_space<vmem>> -> memref<128x32xf32, #tpu.memory_space<vmem>>
    %dma_start3A_114 = arith.constant 0 : i32
    %dma_start3A_115 = tpu.memref_slice %arg6[%dma_start3A_108, %dma_start3A_114] : memref<104x128xi32, #tpu.memory_space<vmem>> -> memref<1x128xi32, #tpu.memory_space<vmem>>
    %dma_start3A_116 = tpu.memref_squeeze %dma_start3A_115 : memref<1x128xi32, #tpu.memory_space<vmem>> -> memref<128xi32, #tpu.memory_space<vmem>>
    %dma_start3A_117 = arith.constant 0 : i32
    %dma_start3A_118 = arith.constant 0 : i32
    %dma_start3A_119 = tpu.memref_slice %arg4[%dma_start3A_117, %dma_start3A_118] : memref<1000000x32xf32, #tpu.memory_space<hbm>> -> memref<1000000x32xf32, #tpu.memory_space<hbm>>
    tpu.enqueue_indirect_dma source(%dma_start3A_119 : memref<1000000x32xf32, #tpu.memory_space<hbm>>) target(%dma_start3A_113 : memref<128x32xf32, #tpu.memory_space<vmem>>) offsets(%dma_start3A_116 : memref<128xi32, #tpu.memory_space<vmem>>) semaphore(%arg18 : memref<!tpu.dma_semaphore, #tpu.memory_space<semaphore_mem>>)
    %dma_start3A_120 = arith.constant 10 : i32
    %dma_start3A_121 = arith.constant 10 : i32
    %dma_start3A_122 = arith.constant 0 : i32
    %dma_start3A_123 = arith.constant 0 : i32
    %dma_start3A_124 = tpu.memref_slice %arg8[%dma_start3A_121, %dma_start3A_122, %dma_start3A_123] : memref<13x128x32xf32, #tpu.memory_space<vmem>> -> memref<1x128x32xf32, #tpu.memory_space<vmem>>
    %dma_start3A_125 = tpu.memref_squeeze %dma_start3A_124 : memref<1x128x32xf32, #tpu.memory_space<vmem>> -> memref<128x32xf32, #tpu.memory_space<vmem>>
    %dma_start3A_126 = arith.constant 0 : i32
    %dma_start3A_127 = tpu.memref_slice %arg6[%dma_start3A_120, %dma_start3A_126] : memref<104x128xi32, #tpu.memory_space<vmem>> -> memref<1x128xi32, #tpu.memory_space<vmem>>
    %dma_start3A_128 = tpu.memref_squeeze %dma_start3A_127 : memref<1x128xi32, #tpu.memory_space<vmem>> -> memref<128xi32, #tpu.memory_space<vmem>>
    %dma_start3A_129 = arith.constant 0 : i32
    %dma_start3A_130 = arith.constant 0 : i32
    %dma_start3A_131 = tpu.memref_slice %arg4[%dma_start3A_129, %dma_start3A_130] : memref<1000000x32xf32, #tpu.memory_space<hbm>> -> memref<1000000x32xf32, #tpu.memory_space<hbm>>
    tpu.enqueue_indirect_dma source(%dma_start3A_131 : memref<1000000x32xf32, #tpu.memory_space<hbm>>) target(%dma_start3A_125 : memref<128x32xf32, #tpu.memory_space<vmem>>) offsets(%dma_start3A_128 : memref<128xi32, #tpu.memory_space<vmem>>) semaphore(%arg19 : memref<!tpu.dma_semaphore, #tpu.memory_space<semaphore_mem>>)
    %dma_start3A_132 = arith.constant 11 : i32
    %dma_start3A_133 = arith.constant 11 : i32
    %dma_start3A_134 = arith.constant 0 : i32
    %dma_start3A_135 = arith.constant 0 : i32
    %dma_start3A_136 = tpu.memref_slice %arg8[%dma_start3A_133, %dma_start3A_134, %dma_start3A_135] : memref<13x128x32xf32, #tpu.memory_space<vmem>> -> memref<1x128x32xf32, #tpu.memory_space<vmem>>
    %dma_start3A_137 = tpu.memref_squeeze %dma_start3A_136 : memref<1x128x32xf32, #tpu.memory_space<vmem>> -> memref<128x32xf32, #tpu.memory_space<vmem>>
    %dma_start3A_138 = arith.constant 0 : i32
    %dma_start3A_139 = tpu.memref_slice %arg6[%dma_start3A_132, %dma_start3A_138] : memref<104x128xi32, #tpu.memory_space<vmem>> -> memref<1x128xi32, #tpu.memory_space<vmem>>
    %dma_start3A_140 = tpu.memref_squeeze %dma_start3A_139 : memref<1x128xi32, #tpu.memory_space<vmem>> -> memref<128xi32, #tpu.memory_space<vmem>>
    %dma_start3A_141 = arith.constant 0 : i32
    %dma_start3A_142 = arith.constant 0 : i32
    %dma_start3A_143 = tpu.memref_slice %arg4[%dma_start3A_141, %dma_start3A_142] : memref<1000000x32xf32, #tpu.memory_space<hbm>> -> memref<1000000x32xf32, #tpu.memory_space<hbm>>
    tpu.enqueue_indirect_dma source(%dma_start3A_143 : memref<1000000x32xf32, #tpu.memory_space<hbm>>) target(%dma_start3A_137 : memref<128x32xf32, #tpu.memory_space<vmem>>) offsets(%dma_start3A_140 : memref<128xi32, #tpu.memory_space<vmem>>) semaphore(%arg20 : memref<!tpu.dma_semaphore, #tpu.memory_space<semaphore_mem>>)
    %scan3A = arith.constant 0 : i32
    %scan3A_144 = arith.constant 0 : i32
    %scan3A_145 = arith.constant 8 : i32
    %scan3A_146 = arith.addi %scan3A_144, %scan3A_145 : i32
    %scan3A_147 = arith.constant 1 : i32
    scf.for %scan3A_304 = %scan3A_144 to %scan3A_146 step %scan3A_147  : i32 {
      %mul3A_305 = arith.constant 13 : i32
      %mul3A_306 = arith.muli %scan3A_304, %mul3A_305 : i32
      %add3A_307 = arith.constant 0 : i32
      %add3A_308 = arith.addi %mul3A_306, %add3A_307 : i32
      %dma_wait3A_309 = arith.constant 0 : i32
      %dma_wait3A_310 = arith.constant 0 : i32
      %dma_wait3A_311 = arith.constant 0 : i32
      %dma_wait3A_312 = tpu.memref_slice %arg8[%dma_wait3A_309, %dma_wait3A_310, %dma_wait3A_311] : memref<13x128x32xf32, #tpu.memory_space<vmem>> -> memref<1x128x32xf32, #tpu.memory_space<vmem>>
      %dma_wait3A_313 = tpu.memref_squeeze %dma_wait3A_312 : memref<1x128x32xf32, #tpu.memory_space<vmem>> -> memref<128x32xf32, #tpu.memory_space<vmem>>
      %dma_wait3A_314 = arith.constant 0 : i32
      %dma_wait3A_315 = tpu.memref_slice %arg6[%add3A_308, %dma_wait3A_314] : memref<104x128xi32, #tpu.memory_space<vmem>> -> memref<1x128xi32, #tpu.memory_space<vmem>>
      %dma_wait3A_316 = tpu.memref_squeeze %dma_wait3A_315 : memref<1x128xi32, #tpu.memory_space<vmem>> -> memref<128xi32, #tpu.memory_space<vmem>>
      %dma_wait3A_317 = arith.constant 0 : i32
      %dma_wait3A_318 = arith.constant 0 : i32
      %dma_wait3A_319 = tpu.memref_slice %arg4[%dma_wait3A_317, %dma_wait3A_318] : memref<1000000x32xf32, #tpu.memory_space<hbm>> -> memref<1000000x32xf32, #tpu.memory_space<hbm>>
      tpu.wait_indirect_dma semaphore(%arg9 : memref<!tpu.dma_semaphore, #tpu.memory_space<semaphore_mem>>) src(%dma_wait3A_319 : memref<1000000x32xf32, #tpu.memory_space<hbm>>) dst(%dma_wait3A_313 : memref<128x32xf32, #tpu.memory_space<vmem>>)
      %dma_start3A_320 = arith.constant 0 : i32
      %dma_start3A_321 = arith.constant 0 : i32
      %dma_start3A_322 = arith.constant 0 : i32
      %dma_start3A_323 = tpu.memref_slice %arg8[%dma_start3A_320, %dma_start3A_321, %dma_start3A_322] : memref<13x128x32xf32, #tpu.memory_space<vmem>> -> memref<1x128x32xf32, #tpu.memory_space<vmem>>
      %dma_start3A_324 = tpu.memref_squeeze %dma_start3A_323 : memref<1x128x32xf32, #tpu.memory_space<vmem>> -> memref<128x32xf32, #tpu.memory_space<vmem>>
      %dma_start3A_325 = arith.constant 0 : i32
      %dma_start3A_326 = tpu.memref_slice %arg7[%add3A_308, %dma_start3A_325] : memref<104x128xi32, #tpu.memory_space<vmem>> -> memref<1x128xi32, #tpu.memory_space<vmem>>
      %dma_start3A_327 = tpu.memref_squeeze %dma_start3A_326 : memref<1x128xi32, #tpu.memory_space<vmem>> -> memref<128xi32, #tpu.memory_space<vmem>>
      %dma_start3A_328 = arith.constant 0 : i32
      %dma_start3A_329 = arith.constant 0 : i32
      %dma_start3A_330 = tpu.memref_slice %arg5[%dma_start3A_328, %dma_start3A_329] : memref<2097152x32xf32, #tpu.memory_space<hbm>> -> memref<2097152x32xf32, #tpu.memory_space<hbm>>
      tpu.enqueue_indirect_dma source(%dma_start3A_324 : memref<128x32xf32, #tpu.memory_space<vmem>>) target(%dma_start3A_330 : memref<2097152x32xf32, #tpu.memory_space<hbm>>) offsets(%dma_start3A_327 : memref<128xi32, #tpu.memory_space<vmem>>) semaphore(%arg22 : memref<!tpu.dma_semaphore, #tpu.memory_space<semaphore_mem>>)
      %add3A_331 = arith.constant 13 : i32
      %add3A_332 = arith.addi %add3A_308, %add3A_331 : i32
      %sub3A = arith.constant 1 : i32
      %sub3A_333 = arith.subi %add3A_332, %sub3A : i32
      %ge3A = arith.constant 1 : i32
      %ge3A_334 = arith.cmpi sge, %add3A_308, %ge3A : i32
      %convert_element_type3A = arith.extui %ge3A_334 : i1 to i32
      %cond3A = arith.constant 0 : i32
      %cond3A_335 = arith.cmpi ne, %convert_element_type3A, %cond3A : i32
      scf.if %cond3A_335 {
        %sub3A_742 = arith.constant 1 : i32
        %sub3A_743 = arith.subi %add3A_308, %sub3A_742 : i32
        %dma_wait3A_744 = arith.constant 12 : i32
        %dma_wait3A_745 = arith.constant 0 : i32
        %dma_wait3A_746 = arith.constant 0 : i32
        %dma_wait3A_747 = tpu.memref_slice %arg8[%dma_wait3A_744, %dma_wait3A_745, %dma_wait3A_746] : memref<13x128x32xf32, #tpu.memory_space<vmem>> -> memref<1x128x32xf32, #tpu.memory_space<vmem>>
        %dma_wait3A_748 = tpu.memref_squeeze %dma_wait3A_747 : memref<1x128x32xf32, #tpu.memory_space<vmem>> -> memref<128x32xf32, #tpu.memory_space<vmem>>
        %dma_wait3A_749 = arith.constant 0 : i32
        %dma_wait3A_750 = tpu.memref_slice %arg7[%sub3A_743, %dma_wait3A_749] : memref<104x128xi32, #tpu.memory_space<vmem>> -> memref<1x128xi32, #tpu.memory_space<vmem>>
        %dma_wait3A_751 = tpu.memref_squeeze %dma_wait3A_750 : memref<1x128xi32, #tpu.memory_space<vmem>> -> memref<128xi32, #tpu.memory_space<vmem>>
        %dma_wait3A_752 = arith.constant 0 : i32
        %dma_wait3A_753 = arith.constant 0 : i32
        %dma_wait3A_754 = tpu.memref_slice %arg5[%dma_wait3A_752, %dma_wait3A_753] : memref<2097152x32xf32, #tpu.memory_space<hbm>> -> memref<2097152x32xf32, #tpu.memory_space<hbm>>
        tpu.wait_indirect_dma semaphore(%arg34 : memref<!tpu.dma_semaphore, #tpu.memory_space<semaphore_mem>>) src(%dma_wait3A_748 : memref<128x32xf32, #tpu.memory_space<vmem>>) dst(%dma_wait3A_754 : memref<2097152x32xf32, #tpu.memory_space<hbm>>)
      } else {
      }
      %dma_start3A_336 = arith.constant 12 : i32
      %dma_start3A_337 = arith.constant 0 : i32
      %dma_start3A_338 = arith.constant 0 : i32
      %dma_start3A_339 = tpu.memref_slice %arg8[%dma_start3A_336, %dma_start3A_337, %dma_start3A_338] : memref<13x128x32xf32, #tpu.memory_space<vmem>> -> memref<1x128x32xf32, #tpu.memory_space<vmem>>
      %dma_start3A_340 = tpu.memref_squeeze %dma_start3A_339 : memref<1x128x32xf32, #tpu.memory_space<vmem>> -> memref<128x32xf32, #tpu.memory_space<vmem>>
      %dma_start3A_341 = arith.constant 0 : i32
      %dma_start3A_342 = tpu.memref_slice %arg6[%sub3A_333, %dma_start3A_341] : memref<104x128xi32, #tpu.memory_space<vmem>> -> memref<1x128xi32, #tpu.memory_space<vmem>>
      %dma_start3A_343 = tpu.memref_squeeze %dma_start3A_342 : memref<1x128xi32, #tpu.memory_space<vmem>> -> memref<128xi32, #tpu.memory_space<vmem>>
      %dma_start3A_344 = arith.constant 0 : i32
      %dma_start3A_345 = arith.constant 0 : i32
      %dma_start3A_346 = tpu.memref_slice %arg4[%dma_start3A_344, %dma_start3A_345] : memref<1000000x32xf32, #tpu.memory_space<hbm>> -> memref<1000000x32xf32, #tpu.memory_space<hbm>>
      tpu.enqueue_indirect_dma source(%dma_start3A_346 : memref<1000000x32xf32, #tpu.memory_space<hbm>>) target(%dma_start3A_340 : memref<128x32xf32, #tpu.memory_space<vmem>>) offsets(%dma_start3A_343 : memref<128xi32, #tpu.memory_space<vmem>>) semaphore(%arg21 : memref<!tpu.dma_semaphore, #tpu.memory_space<semaphore_mem>>)
      %add3A_347 = arith.constant 1 : i32
      %add3A_348 = arith.addi %mul3A_306, %add3A_347 : i32
      %dma_wait3A_349 = arith.constant 1 : i32
      %dma_wait3A_350 = arith.constant 0 : i32
      %dma_wait3A_351 = arith.constant 0 : i32
      %dma_wait3A_352 = tpu.memref_slice %arg8[%dma_wait3A_349, %dma_wait3A_350, %dma_wait3A_351] : memref<13x128x32xf32, #tpu.memory_space<vmem>> -> memref<1x128x32xf32, #tpu.memory_space<vmem>>
      %dma_wait3A_353 = tpu.memref_squeeze %dma_wait3A_352 : memref<1x128x32xf32, #tpu.memory_space<vmem>> -> memref<128x32xf32, #tpu.memory_space<vmem>>
      %dma_wait3A_354 = arith.constant 0 : i32
      %dma_wait3A_355 = tpu.memref_slice %arg6[%add3A_348, %dma_wait3A_354] : memref<104x128xi32, #tpu.memory_space<vmem>> -> memref<1x128xi32, #tpu.memory_space<vmem>>
      %dma_wait3A_356 = tpu.memref_squeeze %dma_wait3A_355 : memref<1x128xi32, #tpu.memory_space<vmem>> -> memref<128xi32, #tpu.memory_space<vmem>>
      %dma_wait3A_357 = arith.constant 0 : i32
      %dma_wait3A_358 = arith.constant 0 : i32
      %dma_wait3A_359 = tpu.memref_slice %arg4[%dma_wait3A_357, %dma_wait3A_358] : memref<1000000x32xf32, #tpu.memory_space<hbm>> -> memref<1000000x32xf32, #tpu.memory_space<hbm>>
      tpu.wait_indirect_dma semaphore(%arg10 : memref<!tpu.dma_semaphore, #tpu.memory_space<semaphore_mem>>) src(%dma_wait3A_359 : memref<1000000x32xf32, #tpu.memory_space<hbm>>) dst(%dma_wait3A_353 : memref<128x32xf32, #tpu.memory_space<vmem>>)
      %dma_start3A_360 = arith.constant 1 : i32
      %dma_start3A_361 = arith.constant 0 : i32
      %dma_start3A_362 = arith.constant 0 : i32
      %dma_start3A_363 = tpu.memref_slice %arg8[%dma_start3A_360, %dma_start3A_361, %dma_start3A_362] : memref<13x128x32xf32, #tpu.memory_space<vmem>> -> memref<1x128x32xf32, #tpu.memory_space<vmem>>
      %dma_start3A_364 = tpu.memref_squeeze %dma_start3A_363 : memref<1x128x32xf32, #tpu.memory_space<vmem>> -> memref<128x32xf32, #tpu.memory_space<vmem>>
      %dma_start3A_365 = arith.constant 0 : i32
      %dma_start3A_366 = tpu.memref_slice %arg7[%add3A_348, %dma_start3A_365] : memref<104x128xi32, #tpu.memory_space<vmem>> -> memref<1x128xi32, #tpu.memory_space<vmem>>
      %dma_start3A_367 = tpu.memref_squeeze %dma_start3A_366 : memref<1x128xi32, #tpu.memory_space<vmem>> -> memref<128xi32, #tpu.memory_space<vmem>>
      %dma_start3A_368 = arith.constant 0 : i32
      %dma_start3A_369 = arith.constant 0 : i32
      %dma_start3A_370 = tpu.memref_slice %arg5[%dma_start3A_368, %dma_start3A_369] : memref<2097152x32xf32, #tpu.memory_space<hbm>> -> memref<2097152x32xf32, #tpu.memory_space<hbm>>
      tpu.enqueue_indirect_dma source(%dma_start3A_364 : memref<128x32xf32, #tpu.memory_space<vmem>>) target(%dma_start3A_370 : memref<2097152x32xf32, #tpu.memory_space<hbm>>) offsets(%dma_start3A_367 : memref<128xi32, #tpu.memory_space<vmem>>) semaphore(%arg23 : memref<!tpu.dma_semaphore, #tpu.memory_space<semaphore_mem>>)
      %add3A_371 = arith.constant 13 : i32
      %add3A_372 = arith.addi %add3A_348, %add3A_371 : i32
      %sub3A_373 = arith.constant 1 : i32
      %sub3A_374 = arith.subi %add3A_372, %sub3A_373 : i32
      %lt3A = arith.constant 104 : i32
      %lt3A_375 = arith.cmpi slt, %sub3A_374, %lt3A : i32
      %convert_element_type3A_376 = arith.extui %lt3A_375 : i1 to i32
      %cond3A_377 = arith.constant 0 : i32
      %cond3A_378 = arith.cmpi ne, %convert_element_type3A_376, %cond3A_377 : i32
      scf.if %cond3A_378 {
        %sub3A_742 = arith.constant 1 : i32
        %sub3A_743 = arith.subi %add3A_348, %sub3A_742 : i32
        %dma_wait3A_744 = arith.constant 0 : i32
        %dma_wait3A_745 = arith.constant 0 : i32
        %dma_wait3A_746 = arith.constant 0 : i32
        %dma_wait3A_747 = tpu.memref_slice %arg8[%dma_wait3A_744, %dma_wait3A_745, %dma_wait3A_746] : memref<13x128x32xf32, #tpu.memory_space<vmem>> -> memref<1x128x32xf32, #tpu.memory_space<vmem>>
        %dma_wait3A_748 = tpu.memref_squeeze %dma_wait3A_747 : memref<1x128x32xf32, #tpu.memory_space<vmem>> -> memref<128x32xf32, #tpu.memory_space<vmem>>
        %dma_wait3A_749 = arith.constant 0 : i32
        %dma_wait3A_750 = tpu.memref_slice %arg7[%sub3A_743, %dma_wait3A_749] : memref<104x128xi32, #tpu.memory_space<vmem>> -> memref<1x128xi32, #tpu.memory_space<vmem>>
        %dma_wait3A_751 = tpu.memref_squeeze %dma_wait3A_750 : memref<1x128xi32, #tpu.memory_space<vmem>> -> memref<128xi32, #tpu.memory_space<vmem>>
        %dma_wait3A_752 = arith.constant 0 : i32
        %dma_wait3A_753 = arith.constant 0 : i32
        %dma_wait3A_754 = tpu.memref_slice %arg5[%dma_wait3A_752, %dma_wait3A_753] : memref<2097152x32xf32, #tpu.memory_space<hbm>> -> memref<2097152x32xf32, #tpu.memory_space<hbm>>
        tpu.wait_indirect_dma semaphore(%arg22 : memref<!tpu.dma_semaphore, #tpu.memory_space<semaphore_mem>>) src(%dma_wait3A_748 : memref<128x32xf32, #tpu.memory_space<vmem>>) dst(%dma_wait3A_754 : memref<2097152x32xf32, #tpu.memory_space<hbm>>)
        %dma_start3A_755 = arith.constant 0 : i32
        %dma_start3A_756 = arith.constant 0 : i32
        %dma_start3A_757 = arith.constant 0 : i32
        %dma_start3A_758 = tpu.memref_slice %arg8[%dma_start3A_755, %dma_start3A_756, %dma_start3A_757] : memref<13x128x32xf32, #tpu.memory_space<vmem>> -> memref<1x128x32xf32, #tpu.memory_space<vmem>>
        %dma_start3A_759 = tpu.memref_squeeze %dma_start3A_758 : memref<1x128x32xf32, #tpu.memory_space<vmem>> -> memref<128x32xf32, #tpu.memory_space<vmem>>
        %dma_start3A_760 = arith.constant 0 : i32
        %dma_start3A_761 = tpu.memref_slice %arg6[%sub3A_374, %dma_start3A_760] : memref<104x128xi32, #tpu.memory_space<vmem>> -> memref<1x128xi32, #tpu.memory_space<vmem>>
        %dma_start3A_762 = tpu.memref_squeeze %dma_start3A_761 : memref<1x128xi32, #tpu.memory_space<vmem>> -> memref<128xi32, #tpu.memory_space<vmem>>
        %dma_start3A_763 = arith.constant 0 : i32
        %dma_start3A_764 = arith.constant 0 : i32
        %dma_start3A_765 = tpu.memref_slice %arg4[%dma_start3A_763, %dma_start3A_764] : memref<1000000x32xf32, #tpu.memory_space<hbm>> -> memref<1000000x32xf32, #tpu.memory_space<hbm>>
        tpu.enqueue_indirect_dma source(%dma_start3A_765 : memref<1000000x32xf32, #tpu.memory_space<hbm>>) target(%dma_start3A_759 : memref<128x32xf32, #tpu.memory_space<vmem>>) offsets(%dma_start3A_762 : memref<128xi32, #tpu.memory_space<vmem>>) semaphore(%arg9 : memref<!tpu.dma_semaphore, #tpu.memory_space<semaphore_mem>>)
      } else {
      }
      %add3A_379 = arith.constant 2 : i32
      %add3A_380 = arith.addi %mul3A_306, %add3A_379 : i32
      %dma_wait3A_381 = arith.constant 2 : i32
      %dma_wait3A_382 = arith.constant 0 : i32
      %dma_wait3A_383 = arith.constant 0 : i32
      %dma_wait3A_384 = tpu.memref_slice %arg8[%dma_wait3A_381, %dma_wait3A_382, %dma_wait3A_383] : memref<13x128x32xf32, #tpu.memory_space<vmem>> -> memref<1x128x32xf32, #tpu.memory_space<vmem>>
      %dma_wait3A_385 = tpu.memref_squeeze %dma_wait3A_384 : memref<1x128x32xf32, #tpu.memory_space<vmem>> -> memref<128x32xf32, #tpu.memory_space<vmem>>
      %dma_wait3A_386 = arith.constant 0 : i32
      %dma_wait3A_387 = tpu.memref_slice %arg6[%add3A_380, %dma_wait3A_386] : memref<104x128xi32, #tpu.memory_space<vmem>> -> memref<1x128xi32, #tpu.memory_space<vmem>>
      %dma_wait3A_388 = tpu.memref_squeeze %dma_wait3A_387 : memref<1x128xi32, #tpu.memory_space<vmem>> -> memref<128xi32, #tpu.memory_space<vmem>>
      %dma_wait3A_389 = arith.constant 0 : i32
      %dma_wait3A_390 = arith.constant 0 : i32
      %dma_wait3A_391 = tpu.memref_slice %arg4[%dma_wait3A_389, %dma_wait3A_390] : memref<1000000x32xf32, #tpu.memory_space<hbm>> -> memref<1000000x32xf32, #tpu.memory_space<hbm>>
      tpu.wait_indirect_dma semaphore(%arg11 : memref<!tpu.dma_semaphore, #tpu.memory_space<semaphore_mem>>) src(%dma_wait3A_391 : memref<1000000x32xf32, #tpu.memory_space<hbm>>) dst(%dma_wait3A_385 : memref<128x32xf32, #tpu.memory_space<vmem>>)
      %dma_start3A_392 = arith.constant 2 : i32
      %dma_start3A_393 = arith.constant 0 : i32
      %dma_start3A_394 = arith.constant 0 : i32
      %dma_start3A_395 = tpu.memref_slice %arg8[%dma_start3A_392, %dma_start3A_393, %dma_start3A_394] : memref<13x128x32xf32, #tpu.memory_space<vmem>> -> memref<1x128x32xf32, #tpu.memory_space<vmem>>
      %dma_start3A_396 = tpu.memref_squeeze %dma_start3A_395 : memref<1x128x32xf32, #tpu.memory_space<vmem>> -> memref<128x32xf32, #tpu.memory_space<vmem>>
      %dma_start3A_397 = arith.constant 0 : i32
      %dma_start3A_398 = tpu.memref_slice %arg7[%add3A_380, %dma_start3A_397] : memref<104x128xi32, #tpu.memory_space<vmem>> -> memref<1x128xi32, #tpu.memory_space<vmem>>
      %dma_start3A_399 = tpu.memref_squeeze %dma_start3A_398 : memref<1x128xi32, #tpu.memory_space<vmem>> -> memref<128xi32, #tpu.memory_space<vmem>>
      %dma_start3A_400 = arith.constant 0 : i32
      %dma_start3A_401 = arith.constant 0 : i32
      %dma_start3A_402 = tpu.memref_slice %arg5[%dma_start3A_400, %dma_start3A_401] : memref<2097152x32xf32, #tpu.memory_space<hbm>> -> memref<2097152x32xf32, #tpu.memory_space<hbm>>
      tpu.enqueue_indirect_dma source(%dma_start3A_396 : memref<128x32xf32, #tpu.memory_space<vmem>>) target(%dma_start3A_402 : memref<2097152x32xf32, #tpu.memory_space<hbm>>) offsets(%dma_start3A_399 : memref<128xi32, #tpu.memory_space<vmem>>) semaphore(%arg24 : memref<!tpu.dma_semaphore, #tpu.memory_space<semaphore_mem>>)
      %add3A_403 = arith.constant 13 : i32
      %add3A_404 = arith.addi %add3A_380, %add3A_403 : i32
      %sub3A_405 = arith.constant 1 : i32
      %sub3A_406 = arith.subi %add3A_404, %sub3A_405 : i32
      %lt3A_407 = arith.constant 104 : i32
      %lt3A_408 = arith.cmpi slt, %sub3A_406, %lt3A_407 : i32
      %convert_element_type3A_409 = arith.extui %lt3A_408 : i1 to i32
      %cond3A_410 = arith.constant 0 : i32
      %cond3A_411 = arith.cmpi ne, %convert_element_type3A_409, %cond3A_410 : i32
      scf.if %cond3A_411 {
        %sub3A_742 = arith.constant 1 : i32
        %sub3A_743 = arith.subi %add3A_380, %sub3A_742 : i32
        %dma_wait3A_744 = arith.constant 1 : i32
        %dma_wait3A_745 = arith.constant 0 : i32
        %dma_wait3A_746 = arith.constant 0 : i32
        %dma_wait3A_747 = tpu.memref_slice %arg8[%dma_wait3A_744, %dma_wait3A_745, %dma_wait3A_746] : memref<13x128x32xf32, #tpu.memory_space<vmem>> -> memref<1x128x32xf32, #tpu.memory_space<vmem>>
        %dma_wait3A_748 = tpu.memref_squeeze %dma_wait3A_747 : memref<1x128x32xf32, #tpu.memory_space<vmem>> -> memref<128x32xf32, #tpu.memory_space<vmem>>
        %dma_wait3A_749 = arith.constant 0 : i32
        %dma_wait3A_750 = tpu.memref_slice %arg7[%sub3A_743, %dma_wait3A_749] : memref<104x128xi32, #tpu.memory_space<vmem>> -> memref<1x128xi32, #tpu.memory_space<vmem>>
        %dma_wait3A_751 = tpu.memref_squeeze %dma_wait3A_750 : memref<1x128xi32, #tpu.memory_space<vmem>> -> memref<128xi32, #tpu.memory_space<vmem>>
        %dma_wait3A_752 = arith.constant 0 : i32
        %dma_wait3A_753 = arith.constant 0 : i32
        %dma_wait3A_754 = tpu.memref_slice %arg5[%dma_wait3A_752, %dma_wait3A_753] : memref<2097152x32xf32, #tpu.memory_space<hbm>> -> memref<2097152x32xf32, #tpu.memory_space<hbm>>
        tpu.wait_indirect_dma semaphore(%arg23 : memref<!tpu.dma_semaphore, #tpu.memory_space<semaphore_mem>>) src(%dma_wait3A_748 : memref<128x32xf32, #tpu.memory_space<vmem>>) dst(%dma_wait3A_754 : memref<2097152x32xf32, #tpu.memory_space<hbm>>)
        %dma_start3A_755 = arith.constant 1 : i32
        %dma_start3A_756 = arith.constant 0 : i32
        %dma_start3A_757 = arith.constant 0 : i32
        %dma_start3A_758 = tpu.memref_slice %arg8[%dma_start3A_755, %dma_start3A_756, %dma_start3A_757] : memref<13x128x32xf32, #tpu.memory_space<vmem>> -> memref<1x128x32xf32, #tpu.memory_space<vmem>>
        %dma_start3A_759 = tpu.memref_squeeze %dma_start3A_758 : memref<1x128x32xf32, #tpu.memory_space<vmem>> -> memref<128x32xf32, #tpu.memory_space<vmem>>
        %dma_start3A_760 = arith.constant 0 : i32
        %dma_start3A_761 = tpu.memref_slice %arg6[%sub3A_406, %dma_start3A_760] : memref<104x128xi32, #tpu.memory_space<vmem>> -> memref<1x128xi32, #tpu.memory_space<vmem>>
        %dma_start3A_762 = tpu.memref_squeeze %dma_start3A_761 : memref<1x128xi32, #tpu.memory_space<vmem>> -> memref<128xi32, #tpu.memory_space<vmem>>
        %dma_start3A_763 = arith.constant 0 : i32
        %dma_start3A_764 = arith.constant 0 : i32
        %dma_start3A_765 = tpu.memref_slice %arg4[%dma_start3A_763, %dma_start3A_764] : memref<1000000x32xf32, #tpu.memory_space<hbm>> -> memref<1000000x32xf32, #tpu.memory_space<hbm>>
        tpu.enqueue_indirect_dma source(%dma_start3A_765 : memref<1000000x32xf32, #tpu.memory_space<hbm>>) target(%dma_start3A_759 : memref<128x32xf32, #tpu.memory_space<vmem>>) offsets(%dma_start3A_762 : memref<128xi32, #tpu.memory_space<vmem>>) semaphore(%arg10 : memref<!tpu.dma_semaphore, #tpu.memory_space<semaphore_mem>>)
      } else {
      }
      %add3A_412 = arith.constant 3 : i32
      %add3A_413 = arith.addi %mul3A_306, %add3A_412 : i32
      %dma_wait3A_414 = arith.constant 3 : i32
      %dma_wait3A_415 = arith.constant 0 : i32
      %dma_wait3A_416 = arith.constant 0 : i32
      %dma_wait3A_417 = tpu.memref_slice %arg8[%dma_wait3A_414, %dma_wait3A_415, %dma_wait3A_416] : memref<13x128x32xf32, #tpu.memory_space<vmem>> -> memref<1x128x32xf32, #tpu.memory_space<vmem>>
      %dma_wait3A_418 = tpu.memref_squeeze %dma_wait3A_417 : memref<1x128x32xf32, #tpu.memory_space<vmem>> -> memref<128x32xf32, #tpu.memory_space<vmem>>
      %dma_wait3A_419 = arith.constant 0 : i32
      %dma_wait3A_420 = tpu.memref_slice %arg6[%add3A_413, %dma_wait3A_419] : memref<104x128xi32, #tpu.memory_space<vmem>> -> memref<1x128xi32, #tpu.memory_space<vmem>>
      %dma_wait3A_421 = tpu.memref_squeeze %dma_wait3A_420 : memref<1x128xi32, #tpu.memory_space<vmem>> -> memref<128xi32, #tpu.memory_space<vmem>>
      %dma_wait3A_422 = arith.constant 0 : i32
      %dma_wait3A_423 = arith.constant 0 : i32
      %dma_wait3A_424 = tpu.memref_slice %arg4[%dma_wait3A_422, %dma_wait3A_423] : memref<1000000x32xf32, #tpu.memory_space<hbm>> -> memref<1000000x32xf32, #tpu.memory_space<hbm>>
      tpu.wait_indirect_dma semaphore(%arg12 : memref<!tpu.dma_semaphore, #tpu.memory_space<semaphore_mem>>) src(%dma_wait3A_424 : memref<1000000x32xf32, #tpu.memory_space<hbm>>) dst(%dma_wait3A_418 : memref<128x32xf32, #tpu.memory_space<vmem>>)
      %dma_start3A_425 = arith.constant 3 : i32
      %dma_start3A_426 = arith.constant 0 : i32
      %dma_start3A_427 = arith.constant 0 : i32
      %dma_start3A_428 = tpu.memref_slice %arg8[%dma_start3A_425, %dma_start3A_426, %dma_start3A_427] : memref<13x128x32xf32, #tpu.memory_space<vmem>> -> memref<1x128x32xf32, #tpu.memory_space<vmem>>
      %dma_start3A_429 = tpu.memref_squeeze %dma_start3A_428 : memref<1x128x32xf32, #tpu.memory_space<vmem>> -> memref<128x32xf32, #tpu.memory_space<vmem>>
      %dma_start3A_430 = arith.constant 0 : i32
      %dma_start3A_431 = tpu.memref_slice %arg7[%add3A_413, %dma_start3A_430] : memref<104x128xi32, #tpu.memory_space<vmem>> -> memref<1x128xi32, #tpu.memory_space<vmem>>
      %dma_start3A_432 = tpu.memref_squeeze %dma_start3A_431 : memref<1x128xi32, #tpu.memory_space<vmem>> -> memref<128xi32, #tpu.memory_space<vmem>>
      %dma_start3A_433 = arith.constant 0 : i32
      %dma_start3A_434 = arith.constant 0 : i32
      %dma_start3A_435 = tpu.memref_slice %arg5[%dma_start3A_433, %dma_start3A_434] : memref<2097152x32xf32, #tpu.memory_space<hbm>> -> memref<2097152x32xf32, #tpu.memory_space<hbm>>
      tpu.enqueue_indirect_dma source(%dma_start3A_429 : memref<128x32xf32, #tpu.memory_space<vmem>>) target(%dma_start3A_435 : memref<2097152x32xf32, #tpu.memory_space<hbm>>) offsets(%dma_start3A_432 : memref<128xi32, #tpu.memory_space<vmem>>) semaphore(%arg25 : memref<!tpu.dma_semaphore, #tpu.memory_space<semaphore_mem>>)
      %add3A_436 = arith.constant 13 : i32
      %add3A_437 = arith.addi %add3A_413, %add3A_436 : i32
      %sub3A_438 = arith.constant 1 : i32
      %sub3A_439 = arith.subi %add3A_437, %sub3A_438 : i32
      %lt3A_440 = arith.constant 104 : i32
      %lt3A_441 = arith.cmpi slt, %sub3A_439, %lt3A_440 : i32
      %convert_element_type3A_442 = arith.extui %lt3A_441 : i1 to i32
      %cond3A_443 = arith.constant 0 : i32
      %cond3A_444 = arith.cmpi ne, %convert_element_type3A_442, %cond3A_443 : i32
      scf.if %cond3A_444 {
        %sub3A_742 = arith.constant 1 : i32
        %sub3A_743 = arith.subi %add3A_413, %sub3A_742 : i32
        %dma_wait3A_744 = arith.constant 2 : i32
        %dma_wait3A_745 = arith.constant 0 : i32
        %dma_wait3A_746 = arith.constant 0 : i32
        %dma_wait3A_747 = tpu.memref_slice %arg8[%dma_wait3A_744, %dma_wait3A_745, %dma_wait3A_746] : memref<13x128x32xf32, #tpu.memory_space<vmem>> -> memref<1x128x32xf32, #tpu.memory_space<vmem>>
        %dma_wait3A_748 = tpu.memref_squeeze %dma_wait3A_747 : memref<1x128x32xf32, #tpu.memory_space<vmem>> -> memref<128x32xf32, #tpu.memory_space<vmem>>
        %dma_wait3A_749 = arith.constant 0 : i32
        %dma_wait3A_750 = tpu.memref_slice %arg7[%sub3A_743, %dma_wait3A_749] : memref<104x128xi32, #tpu.memory_space<vmem>> -> memref<1x128xi32, #tpu.memory_space<vmem>>
        %dma_wait3A_751 = tpu.memref_squeeze %dma_wait3A_750 : memref<1x128xi32, #tpu.memory_space<vmem>> -> memref<128xi32, #tpu.memory_space<vmem>>
        %dma_wait3A_752 = arith.constant 0 : i32
        %dma_wait3A_753 = arith.constant 0 : i32
        %dma_wait3A_754 = tpu.memref_slice %arg5[%dma_wait3A_752, %dma_wait3A_753] : memref<2097152x32xf32, #tpu.memory_space<hbm>> -> memref<2097152x32xf32, #tpu.memory_space<hbm>>
        tpu.wait_indirect_dma semaphore(%arg24 : memref<!tpu.dma_semaphore, #tpu.memory_space<semaphore_mem>>) src(%dma_wait3A_748 : memref<128x32xf32, #tpu.memory_space<vmem>>) dst(%dma_wait3A_754 : memref<2097152x32xf32, #tpu.memory_space<hbm>>)
        %dma_start3A_755 = arith.constant 2 : i32
        %dma_start3A_756 = arith.constant 0 : i32
        %dma_start3A_757 = arith.constant 0 : i32
        %dma_start3A_758 = tpu.memref_slice %arg8[%dma_start3A_755, %dma_start3A_756, %dma_start3A_757] : memref<13x128x32xf32, #tpu.memory_space<vmem>> -> memref<1x128x32xf32, #tpu.memory_space<vmem>>
        %dma_start3A_759 = tpu.memref_squeeze %dma_start3A_758 : memref<1x128x32xf32, #tpu.memory_space<vmem>> -> memref<128x32xf32, #tpu.memory_space<vmem>>
        %dma_start3A_760 = arith.constant 0 : i32
        %dma_start3A_761 = tpu.memref_slice %arg6[%sub3A_439, %dma_start3A_760] : memref<104x128xi32, #tpu.memory_space<vmem>> -> memref<1x128xi32, #tpu.memory_space<vmem>>
        %dma_start3A_762 = tpu.memref_squeeze %dma_start3A_761 : memref<1x128xi32, #tpu.memory_space<vmem>> -> memref<128xi32, #tpu.memory_space<vmem>>
        %dma_start3A_763 = arith.constant 0 : i32
        %dma_start3A_764 = arith.constant 0 : i32
        %dma_start3A_765 = tpu.memref_slice %arg4[%dma_start3A_763, %dma_start3A_764] : memref<1000000x32xf32, #tpu.memory_space<hbm>> -> memref<1000000x32xf32, #tpu.memory_space<hbm>>
        tpu.enqueue_indirect_dma source(%dma_start3A_765 : memref<1000000x32xf32, #tpu.memory_space<hbm>>) target(%dma_start3A_759 : memref<128x32xf32, #tpu.memory_space<vmem>>) offsets(%dma_start3A_762 : memref<128xi32, #tpu.memory_space<vmem>>) semaphore(%arg11 : memref<!tpu.dma_semaphore, #tpu.memory_space<semaphore_mem>>)
      } else {
      }
      %add3A_445 = arith.constant 4 : i32
      %add3A_446 = arith.addi %mul3A_306, %add3A_445 : i32
      %dma_wait3A_447 = arith.constant 4 : i32
      %dma_wait3A_448 = arith.constant 0 : i32
      %dma_wait3A_449 = arith.constant 0 : i32
      %dma_wait3A_450 = tpu.memref_slice %arg8[%dma_wait3A_447, %dma_wait3A_448, %dma_wait3A_449] : memref<13x128x32xf32, #tpu.memory_space<vmem>> -> memref<1x128x32xf32, #tpu.memory_space<vmem>>
      %dma_wait3A_451 = tpu.memref_squeeze %dma_wait3A_450 : memref<1x128x32xf32, #tpu.memory_space<vmem>> -> memref<128x32xf32, #tpu.memory_space<vmem>>
      %dma_wait3A_452 = arith.constant 0 : i32
      %dma_wait3A_453 = tpu.memref_slice %arg6[%add3A_446, %dma_wait3A_452] : memref<104x128xi32, #tpu.memory_space<vmem>> -> memref<1x128xi32, #tpu.memory_space<vmem>>
      %dma_wait3A_454 = tpu.memref_squeeze %dma_wait3A_453 : memref<1x128xi32, #tpu.memory_space<vmem>> -> memref<128xi32, #tpu.memory_space<vmem>>
      %dma_wait3A_455 = arith.constant 0 : i32
      %dma_wait3A_456 = arith.constant 0 : i32
      %dma_wait3A_457 = tpu.memref_slice %arg4[%dma_wait3A_455, %dma_wait3A_456] : memref<1000000x32xf32, #tpu.memory_space<hbm>> -> memref<1000000x32xf32, #tpu.memory_space<hbm>>
      tpu.wait_indirect_dma semaphore(%arg13 : memref<!tpu.dma_semaphore, #tpu.memory_space<semaphore_mem>>) src(%dma_wait3A_457 : memref<1000000x32xf32, #tpu.memory_space<hbm>>) dst(%dma_wait3A_451 : memref<128x32xf32, #tpu.memory_space<vmem>>)
      %dma_start3A_458 = arith.constant 4 : i32
      %dma_start3A_459 = arith.constant 0 : i32
      %dma_start3A_460 = arith.constant 0 : i32
      %dma_start3A_461 = tpu.memref_slice %arg8[%dma_start3A_458, %dma_start3A_459, %dma_start3A_460] : memref<13x128x32xf32, #tpu.memory_space<vmem>> -> memref<1x128x32xf32, #tpu.memory_space<vmem>>
      %dma_start3A_462 = tpu.memref_squeeze %dma_start3A_461 : memref<1x128x32xf32, #tpu.memory_space<vmem>> -> memref<128x32xf32, #tpu.memory_space<vmem>>
      %dma_start3A_463 = arith.constant 0 : i32
      %dma_start3A_464 = tpu.memref_slice %arg7[%add3A_446, %dma_start3A_463] : memref<104x128xi32, #tpu.memory_space<vmem>> -> memref<1x128xi32, #tpu.memory_space<vmem>>
      %dma_start3A_465 = tpu.memref_squeeze %dma_start3A_464 : memref<1x128xi32, #tpu.memory_space<vmem>> -> memref<128xi32, #tpu.memory_space<vmem>>
      %dma_start3A_466 = arith.constant 0 : i32
      %dma_start3A_467 = arith.constant 0 : i32
      %dma_start3A_468 = tpu.memref_slice %arg5[%dma_start3A_466, %dma_start3A_467] : memref<2097152x32xf32, #tpu.memory_space<hbm>> -> memref<2097152x32xf32, #tpu.memory_space<hbm>>
      tpu.enqueue_indirect_dma source(%dma_start3A_462 : memref<128x32xf32, #tpu.memory_space<vmem>>) target(%dma_start3A_468 : memref<2097152x32xf32, #tpu.memory_space<hbm>>) offsets(%dma_start3A_465 : memref<128xi32, #tpu.memory_space<vmem>>) semaphore(%arg26 : memref<!tpu.dma_semaphore, #tpu.memory_space<semaphore_mem>>)
      %add3A_469 = arith.constant 13 : i32
      %add3A_470 = arith.addi %add3A_446, %add3A_469 : i32
      %sub3A_471 = arith.constant 1 : i32
      %sub3A_472 = arith.subi %add3A_470, %sub3A_471 : i32
      %lt3A_473 = arith.constant 104 : i32
      %lt3A_474 = arith.cmpi slt, %sub3A_472, %lt3A_473 : i32
      %convert_element_type3A_475 = arith.extui %lt3A_474 : i1 to i32
      %cond3A_476 = arith.constant 0 : i32
      %cond3A_477 = arith.cmpi ne, %convert_element_type3A_475, %cond3A_476 : i32
      scf.if %cond3A_477 {
        %sub3A_742 = arith.constant 1 : i32
        %sub3A_743 = arith.subi %add3A_446, %sub3A_742 : i32
        %dma_wait3A_744 = arith.constant 3 : i32
        %dma_wait3A_745 = arith.constant 0 : i32
        %dma_wait3A_746 = arith.constant 0 : i32
        %dma_wait3A_747 = tpu.memref_slice %arg8[%dma_wait3A_744, %dma_wait3A_745, %dma_wait3A_746] : memref<13x128x32xf32, #tpu.memory_space<vmem>> -> memref<1x128x32xf32, #tpu.memory_space<vmem>>
        %dma_wait3A_748 = tpu.memref_squeeze %dma_wait3A_747 : memref<1x128x32xf32, #tpu.memory_space<vmem>> -> memref<128x32xf32, #tpu.memory_space<vmem>>
        %dma_wait3A_749 = arith.constant 0 : i32
        %dma_wait3A_750 = tpu.memref_slice %arg7[%sub3A_743, %dma_wait3A_749] : memref<104x128xi32, #tpu.memory_space<vmem>> -> memref<1x128xi32, #tpu.memory_space<vmem>>
        %dma_wait3A_751 = tpu.memref_squeeze %dma_wait3A_750 : memref<1x128xi32, #tpu.memory_space<vmem>> -> memref<128xi32, #tpu.memory_space<vmem>>
        %dma_wait3A_752 = arith.constant 0 : i32
        %dma_wait3A_753 = arith.constant 0 : i32
        %dma_wait3A_754 = tpu.memref_slice %arg5[%dma_wait3A_752, %dma_wait3A_753] : memref<2097152x32xf32, #tpu.memory_space<hbm>> -> memref<2097152x32xf32, #tpu.memory_space<hbm>>
        tpu.wait_indirect_dma semaphore(%arg25 : memref<!tpu.dma_semaphore, #tpu.memory_space<semaphore_mem>>) src(%dma_wait3A_748 : memref<128x32xf32, #tpu.memory_space<vmem>>) dst(%dma_wait3A_754 : memref<2097152x32xf32, #tpu.memory_space<hbm>>)
        %dma_start3A_755 = arith.constant 3 : i32
        %dma_start3A_756 = arith.constant 0 : i32
        %dma_start3A_757 = arith.constant 0 : i32
        %dma_start3A_758 = tpu.memref_slice %arg8[%dma_start3A_755, %dma_start3A_756, %dma_start3A_757] : memref<13x128x32xf32, #tpu.memory_space<vmem>> -> memref<1x128x32xf32, #tpu.memory_space<vmem>>
        %dma_start3A_759 = tpu.memref_squeeze %dma_start3A_758 : memref<1x128x32xf32, #tpu.memory_space<vmem>> -> memref<128x32xf32, #tpu.memory_space<vmem>>
        %dma_start3A_760 = arith.constant 0 : i32
        %dma_start3A_761 = tpu.memref_slice %arg6[%sub3A_472, %dma_start3A_760] : memref<104x128xi32, #tpu.memory_space<vmem>> -> memref<1x128xi32, #tpu.memory_space<vmem>>
        %dma_start3A_762 = tpu.memref_squeeze %dma_start3A_761 : memref<1x128xi32, #tpu.memory_space<vmem>> -> memref<128xi32, #tpu.memory_space<vmem>>
        %dma_start3A_763 = arith.constant 0 : i32
        %dma_start3A_764 = arith.constant 0 : i32
        %dma_start3A_765 = tpu.memref_slice %arg4[%dma_start3A_763, %dma_start3A_764] : memref<1000000x32xf32, #tpu.memory_space<hbm>> -> memref<1000000x32xf32, #tpu.memory_space<hbm>>
        tpu.enqueue_indirect_dma source(%dma_start3A_765 : memref<1000000x32xf32, #tpu.memory_space<hbm>>) target(%dma_start3A_759 : memref<128x32xf32, #tpu.memory_space<vmem>>) offsets(%dma_start3A_762 : memref<128xi32, #tpu.memory_space<vmem>>) semaphore(%arg12 : memref<!tpu.dma_semaphore, #tpu.memory_space<semaphore_mem>>)
      } else {
      }
      %add3A_478 = arith.constant 5 : i32
      %add3A_479 = arith.addi %mul3A_306, %add3A_478 : i32
      %dma_wait3A_480 = arith.constant 5 : i32
      %dma_wait3A_481 = arith.constant 0 : i32
      %dma_wait3A_482 = arith.constant 0 : i32
      %dma_wait3A_483 = tpu.memref_slice %arg8[%dma_wait3A_480, %dma_wait3A_481, %dma_wait3A_482] : memref<13x128x32xf32, #tpu.memory_space<vmem>> -> memref<1x128x32xf32, #tpu.memory_space<vmem>>
      %dma_wait3A_484 = tpu.memref_squeeze %dma_wait3A_483 : memref<1x128x32xf32, #tpu.memory_space<vmem>> -> memref<128x32xf32, #tpu.memory_space<vmem>>
      %dma_wait3A_485 = arith.constant 0 : i32
      %dma_wait3A_486 = tpu.memref_slice %arg6[%add3A_479, %dma_wait3A_485] : memref<104x128xi32, #tpu.memory_space<vmem>> -> memref<1x128xi32, #tpu.memory_space<vmem>>
      %dma_wait3A_487 = tpu.memref_squeeze %dma_wait3A_486 : memref<1x128xi32, #tpu.memory_space<vmem>> -> memref<128xi32, #tpu.memory_space<vmem>>
      %dma_wait3A_488 = arith.constant 0 : i32
      %dma_wait3A_489 = arith.constant 0 : i32
      %dma_wait3A_490 = tpu.memref_slice %arg4[%dma_wait3A_488, %dma_wait3A_489] : memref<1000000x32xf32, #tpu.memory_space<hbm>> -> memref<1000000x32xf32, #tpu.memory_space<hbm>>
      tpu.wait_indirect_dma semaphore(%arg14 : memref<!tpu.dma_semaphore, #tpu.memory_space<semaphore_mem>>) src(%dma_wait3A_490 : memref<1000000x32xf32, #tpu.memory_space<hbm>>) dst(%dma_wait3A_484 : memref<128x32xf32, #tpu.memory_space<vmem>>)
      %dma_start3A_491 = arith.constant 5 : i32
      %dma_start3A_492 = arith.constant 0 : i32
      %dma_start3A_493 = arith.constant 0 : i32
      %dma_start3A_494 = tpu.memref_slice %arg8[%dma_start3A_491, %dma_start3A_492, %dma_start3A_493] : memref<13x128x32xf32, #tpu.memory_space<vmem>> -> memref<1x128x32xf32, #tpu.memory_space<vmem>>
      %dma_start3A_495 = tpu.memref_squeeze %dma_start3A_494 : memref<1x128x32xf32, #tpu.memory_space<vmem>> -> memref<128x32xf32, #tpu.memory_space<vmem>>
      %dma_start3A_496 = arith.constant 0 : i32
      %dma_start3A_497 = tpu.memref_slice %arg7[%add3A_479, %dma_start3A_496] : memref<104x128xi32, #tpu.memory_space<vmem>> -> memref<1x128xi32, #tpu.memory_space<vmem>>
      %dma_start3A_498 = tpu.memref_squeeze %dma_start3A_497 : memref<1x128xi32, #tpu.memory_space<vmem>> -> memref<128xi32, #tpu.memory_space<vmem>>
      %dma_start3A_499 = arith.constant 0 : i32
      %dma_start3A_500 = arith.constant 0 : i32
      %dma_start3A_501 = tpu.memref_slice %arg5[%dma_start3A_499, %dma_start3A_500] : memref<2097152x32xf32, #tpu.memory_space<hbm>> -> memref<2097152x32xf32, #tpu.memory_space<hbm>>
      tpu.enqueue_indirect_dma source(%dma_start3A_495 : memref<128x32xf32, #tpu.memory_space<vmem>>) target(%dma_start3A_501 : memref<2097152x32xf32, #tpu.memory_space<hbm>>) offsets(%dma_start3A_498 : memref<128xi32, #tpu.memory_space<vmem>>) semaphore(%arg27 : memref<!tpu.dma_semaphore, #tpu.memory_space<semaphore_mem>>)
      %add3A_502 = arith.constant 13 : i32
      %add3A_503 = arith.addi %add3A_479, %add3A_502 : i32
      %sub3A_504 = arith.constant 1 : i32
      %sub3A_505 = arith.subi %add3A_503, %sub3A_504 : i32
      %lt3A_506 = arith.constant 104 : i32
      %lt3A_507 = arith.cmpi slt, %sub3A_505, %lt3A_506 : i32
      %convert_element_type3A_508 = arith.extui %lt3A_507 : i1 to i32
      %cond3A_509 = arith.constant 0 : i32
      %cond3A_510 = arith.cmpi ne, %convert_element_type3A_508, %cond3A_509 : i32
      scf.if %cond3A_510 {
        %sub3A_742 = arith.constant 1 : i32
        %sub3A_743 = arith.subi %add3A_479, %sub3A_742 : i32
        %dma_wait3A_744 = arith.constant 4 : i32
        %dma_wait3A_745 = arith.constant 0 : i32
        %dma_wait3A_746 = arith.constant 0 : i32
        %dma_wait3A_747 = tpu.memref_slice %arg8[%dma_wait3A_744, %dma_wait3A_745, %dma_wait3A_746] : memref<13x128x32xf32, #tpu.memory_space<vmem>> -> memref<1x128x32xf32, #tpu.memory_space<vmem>>
        %dma_wait3A_748 = tpu.memref_squeeze %dma_wait3A_747 : memref<1x128x32xf32, #tpu.memory_space<vmem>> -> memref<128x32xf32, #tpu.memory_space<vmem>>
        %dma_wait3A_749 = arith.constant 0 : i32
        %dma_wait3A_750 = tpu.memref_slice %arg7[%sub3A_743, %dma_wait3A_749] : memref<104x128xi32, #tpu.memory_space<vmem>> -> memref<1x128xi32, #tpu.memory_space<vmem>>
        %dma_wait3A_751 = tpu.memref_squeeze %dma_wait3A_750 : memref<1x128xi32, #tpu.memory_space<vmem>> -> memref<128xi32, #tpu.memory_space<vmem>>
        %dma_wait3A_752 = arith.constant 0 : i32
        %dma_wait3A_753 = arith.constant 0 : i32
        %dma_wait3A_754 = tpu.memref_slice %arg5[%dma_wait3A_752, %dma_wait3A_753] : memref<2097152x32xf32, #tpu.memory_space<hbm>> -> memref<2097152x32xf32, #tpu.memory_space<hbm>>
        tpu.wait_indirect_dma semaphore(%arg26 : memref<!tpu.dma_semaphore, #tpu.memory_space<semaphore_mem>>) src(%dma_wait3A_748 : memref<128x32xf32, #tpu.memory_space<vmem>>) dst(%dma_wait3A_754 : memref<2097152x32xf32, #tpu.memory_space<hbm>>)
        %dma_start3A_755 = arith.constant 4 : i32
        %dma_start3A_756 = arith.constant 0 : i32
        %dma_start3A_757 = arith.constant 0 : i32
        %dma_start3A_758 = tpu.memref_slice %arg8[%dma_start3A_755, %dma_start3A_756, %dma_start3A_757] : memref<13x128x32xf32, #tpu.memory_space<vmem>> -> memref<1x128x32xf32, #tpu.memory_space<vmem>>
        %dma_start3A_759 = tpu.memref_squeeze %dma_start3A_758 : memref<1x128x32xf32, #tpu.memory_space<vmem>> -> memref<128x32xf32, #tpu.memory_space<vmem>>
        %dma_start3A_760 = arith.constant 0 : i32
        %dma_start3A_761 = tpu.memref_slice %arg6[%sub3A_505, %dma_start3A_760] : memref<104x128xi32, #tpu.memory_space<vmem>> -> memref<1x128xi32, #tpu.memory_space<vmem>>
        %dma_start3A_762 = tpu.memref_squeeze %dma_start3A_761 : memref<1x128xi32, #tpu.memory_space<vmem>> -> memref<128xi32, #tpu.memory_space<vmem>>
        %dma_start3A_763 = arith.constant 0 : i32
        %dma_start3A_764 = arith.constant 0 : i32
        %dma_start3A_765 = tpu.memref_slice %arg4[%dma_start3A_763, %dma_start3A_764] : memref<1000000x32xf32, #tpu.memory_space<hbm>> -> memref<1000000x32xf32, #tpu.memory_space<hbm>>
        tpu.enqueue_indirect_dma source(%dma_start3A_765 : memref<1000000x32xf32, #tpu.memory_space<hbm>>) target(%dma_start3A_759 : memref<128x32xf32, #tpu.memory_space<vmem>>) offsets(%dma_start3A_762 : memref<128xi32, #tpu.memory_space<vmem>>) semaphore(%arg13 : memref<!tpu.dma_semaphore, #tpu.memory_space<semaphore_mem>>)
      } else {
      }
      %add3A_511 = arith.constant 6 : i32
      %add3A_512 = arith.addi %mul3A_306, %add3A_511 : i32
      %dma_wait3A_513 = arith.constant 6 : i32
      %dma_wait3A_514 = arith.constant 0 : i32
      %dma_wait3A_515 = arith.constant 0 : i32
      %dma_wait3A_516 = tpu.memref_slice %arg8[%dma_wait3A_513, %dma_wait3A_514, %dma_wait3A_515] : memref<13x128x32xf32, #tpu.memory_space<vmem>> -> memref<1x128x32xf32, #tpu.memory_space<vmem>>
      %dma_wait3A_517 = tpu.memref_squeeze %dma_wait3A_516 : memref<1x128x32xf32, #tpu.memory_space<vmem>> -> memref<128x32xf32, #tpu.memory_space<vmem>>
      %dma_wait3A_518 = arith.constant 0 : i32
      %dma_wait3A_519 = tpu.memref_slice %arg6[%add3A_512, %dma_wait3A_518] : memref<104x128xi32, #tpu.memory_space<vmem>> -> memref<1x128xi32, #tpu.memory_space<vmem>>
      %dma_wait3A_520 = tpu.memref_squeeze %dma_wait3A_519 : memref<1x128xi32, #tpu.memory_space<vmem>> -> memref<128xi32, #tpu.memory_space<vmem>>
      %dma_wait3A_521 = arith.constant 0 : i32
      %dma_wait3A_522 = arith.constant 0 : i32
      %dma_wait3A_523 = tpu.memref_slice %arg4[%dma_wait3A_521, %dma_wait3A_522] : memref<1000000x32xf32, #tpu.memory_space<hbm>> -> memref<1000000x32xf32, #tpu.memory_space<hbm>>
      tpu.wait_indirect_dma semaphore(%arg15 : memref<!tpu.dma_semaphore, #tpu.memory_space<semaphore_mem>>) src(%dma_wait3A_523 : memref<1000000x32xf32, #tpu.memory_space<hbm>>) dst(%dma_wait3A_517 : memref<128x32xf32, #tpu.memory_space<vmem>>)
      %dma_start3A_524 = arith.constant 6 : i32
      %dma_start3A_525 = arith.constant 0 : i32
      %dma_start3A_526 = arith.constant 0 : i32
      %dma_start3A_527 = tpu.memref_slice %arg8[%dma_start3A_524, %dma_start3A_525, %dma_start3A_526] : memref<13x128x32xf32, #tpu.memory_space<vmem>> -> memref<1x128x32xf32, #tpu.memory_space<vmem>>
      %dma_start3A_528 = tpu.memref_squeeze %dma_start3A_527 : memref<1x128x32xf32, #tpu.memory_space<vmem>> -> memref<128x32xf32, #tpu.memory_space<vmem>>
      %dma_start3A_529 = arith.constant 0 : i32
      %dma_start3A_530 = tpu.memref_slice %arg7[%add3A_512, %dma_start3A_529] : memref<104x128xi32, #tpu.memory_space<vmem>> -> memref<1x128xi32, #tpu.memory_space<vmem>>
      %dma_start3A_531 = tpu.memref_squeeze %dma_start3A_530 : memref<1x128xi32, #tpu.memory_space<vmem>> -> memref<128xi32, #tpu.memory_space<vmem>>
      %dma_start3A_532 = arith.constant 0 : i32
      %dma_start3A_533 = arith.constant 0 : i32
      %dma_start3A_534 = tpu.memref_slice %arg5[%dma_start3A_532, %dma_start3A_533] : memref<2097152x32xf32, #tpu.memory_space<hbm>> -> memref<2097152x32xf32, #tpu.memory_space<hbm>>
      tpu.enqueue_indirect_dma source(%dma_start3A_528 : memref<128x32xf32, #tpu.memory_space<vmem>>) target(%dma_start3A_534 : memref<2097152x32xf32, #tpu.memory_space<hbm>>) offsets(%dma_start3A_531 : memref<128xi32, #tpu.memory_space<vmem>>) semaphore(%arg28 : memref<!tpu.dma_semaphore, #tpu.memory_space<semaphore_mem>>)
      %add3A_535 = arith.constant 13 : i32
      %add3A_536 = arith.addi %add3A_512, %add3A_535 : i32
      %sub3A_537 = arith.constant 1 : i32
      %sub3A_538 = arith.subi %add3A_536, %sub3A_537 : i32
      %lt3A_539 = arith.constant 104 : i32
      %lt3A_540 = arith.cmpi slt, %sub3A_538, %lt3A_539 : i32
      %convert_element_type3A_541 = arith.extui %lt3A_540 : i1 to i32
      %cond3A_542 = arith.constant 0 : i32
      %cond3A_543 = arith.cmpi ne, %convert_element_type3A_541, %cond3A_542 : i32
      scf.if %cond3A_543 {
        %sub3A_742 = arith.constant 1 : i32
        %sub3A_743 = arith.subi %add3A_512, %sub3A_742 : i32
        %dma_wait3A_744 = arith.constant 5 : i32
        %dma_wait3A_745 = arith.constant 0 : i32
        %dma_wait3A_746 = arith.constant 0 : i32
        %dma_wait3A_747 = tpu.memref_slice %arg8[%dma_wait3A_744, %dma_wait3A_745, %dma_wait3A_746] : memref<13x128x32xf32, #tpu.memory_space<vmem>> -> memref<1x128x32xf32, #tpu.memory_space<vmem>>
        %dma_wait3A_748 = tpu.memref_squeeze %dma_wait3A_747 : memref<1x128x32xf32, #tpu.memory_space<vmem>> -> memref<128x32xf32, #tpu.memory_space<vmem>>
        %dma_wait3A_749 = arith.constant 0 : i32
        %dma_wait3A_750 = tpu.memref_slice %arg7[%sub3A_743, %dma_wait3A_749] : memref<104x128xi32, #tpu.memory_space<vmem>> -> memref<1x128xi32, #tpu.memory_space<vmem>>
        %dma_wait3A_751 = tpu.memref_squeeze %dma_wait3A_750 : memref<1x128xi32, #tpu.memory_space<vmem>> -> memref<128xi32, #tpu.memory_space<vmem>>
        %dma_wait3A_752 = arith.constant 0 : i32
        %dma_wait3A_753 = arith.constant 0 : i32
        %dma_wait3A_754 = tpu.memref_slice %arg5[%dma_wait3A_752, %dma_wait3A_753] : memref<2097152x32xf32, #tpu.memory_space<hbm>> -> memref<2097152x32xf32, #tpu.memory_space<hbm>>
        tpu.wait_indirect_dma semaphore(%arg27 : memref<!tpu.dma_semaphore, #tpu.memory_space<semaphore_mem>>) src(%dma_wait3A_748 : memref<128x32xf32, #tpu.memory_space<vmem>>) dst(%dma_wait3A_754 : memref<2097152x32xf32, #tpu.memory_space<hbm>>)
        %dma_start3A_755 = arith.constant 5 : i32
        %dma_start3A_756 = arith.constant 0 : i32
        %dma_start3A_757 = arith.constant 0 : i32
        %dma_start3A_758 = tpu.memref_slice %arg8[%dma_start3A_755, %dma_start3A_756, %dma_start3A_757] : memref<13x128x32xf32, #tpu.memory_space<vmem>> -> memref<1x128x32xf32, #tpu.memory_space<vmem>>
        %dma_start3A_759 = tpu.memref_squeeze %dma_start3A_758 : memref<1x128x32xf32, #tpu.memory_space<vmem>> -> memref<128x32xf32, #tpu.memory_space<vmem>>
        %dma_start3A_760 = arith.constant 0 : i32
        %dma_start3A_761 = tpu.memref_slice %arg6[%sub3A_538, %dma_start3A_760] : memref<104x128xi32, #tpu.memory_space<vmem>> -> memref<1x128xi32, #tpu.memory_space<vmem>>
        %dma_start3A_762 = tpu.memref_squeeze %dma_start3A_761 : memref<1x128xi32, #tpu.memory_space<vmem>> -> memref<128xi32, #tpu.memory_space<vmem>>
        %dma_start3A_763 = arith.constant 0 : i32
        %dma_start3A_764 = arith.constant 0 : i32
        %dma_start3A_765 = tpu.memref_slice %arg4[%dma_start3A_763, %dma_start3A_764] : memref<1000000x32xf32, #tpu.memory_space<hbm>> -> memref<1000000x32xf32, #tpu.memory_space<hbm>>
        tpu.enqueue_indirect_dma source(%dma_start3A_765 : memref<1000000x32xf32, #tpu.memory_space<hbm>>) target(%dma_start3A_759 : memref<128x32xf32, #tpu.memory_space<vmem>>) offsets(%dma_start3A_762 : memref<128xi32, #tpu.memory_space<vmem>>) semaphore(%arg14 : memref<!tpu.dma_semaphore, #tpu.memory_space<semaphore_mem>>)
      } else {
      }
      %add3A_544 = arith.constant 7 : i32
      %add3A_545 = arith.addi %mul3A_306, %add3A_544 : i32
      %dma_wait3A_546 = arith.constant 7 : i32
      %dma_wait3A_547 = arith.constant 0 : i32
      %dma_wait3A_548 = arith.constant 0 : i32
      %dma_wait3A_549 = tpu.memref_slice %arg8[%dma_wait3A_546, %dma_wait3A_547, %dma_wait3A_548] : memref<13x128x32xf32, #tpu.memory_space<vmem>> -> memref<1x128x32xf32, #tpu.memory_space<vmem>>
      %dma_wait3A_550 = tpu.memref_squeeze %dma_wait3A_549 : memref<1x128x32xf32, #tpu.memory_space<vmem>> -> memref<128x32xf32, #tpu.memory_space<vmem>>
      %dma_wait3A_551 = arith.constant 0 : i32
      %dma_wait3A_552 = tpu.memref_slice %arg6[%add3A_545, %dma_wait3A_551] : memref<104x128xi32, #tpu.memory_space<vmem>> -> memref<1x128xi32, #tpu.memory_space<vmem>>
      %dma_wait3A_553 = tpu.memref_squeeze %dma_wait3A_552 : memref<1x128xi32, #tpu.memory_space<vmem>> -> memref<128xi32, #tpu.memory_space<vmem>>
      %dma_wait3A_554 = arith.constant 0 : i32
      %dma_wait3A_555 = arith.constant 0 : i32
      %dma_wait3A_556 = tpu.memref_slice %arg4[%dma_wait3A_554, %dma_wait3A_555] : memref<1000000x32xf32, #tpu.memory_space<hbm>> -> memref<1000000x32xf32, #tpu.memory_space<hbm>>
      tpu.wait_indirect_dma semaphore(%arg16 : memref<!tpu.dma_semaphore, #tpu.memory_space<semaphore_mem>>) src(%dma_wait3A_556 : memref<1000000x32xf32, #tpu.memory_space<hbm>>) dst(%dma_wait3A_550 : memref<128x32xf32, #tpu.memory_space<vmem>>)
      %dma_start3A_557 = arith.constant 7 : i32
      %dma_start3A_558 = arith.constant 0 : i32
      %dma_start3A_559 = arith.constant 0 : i32
      %dma_start3A_560 = tpu.memref_slice %arg8[%dma_start3A_557, %dma_start3A_558, %dma_start3A_559] : memref<13x128x32xf32, #tpu.memory_space<vmem>> -> memref<1x128x32xf32, #tpu.memory_space<vmem>>
      %dma_start3A_561 = tpu.memref_squeeze %dma_start3A_560 : memref<1x128x32xf32, #tpu.memory_space<vmem>> -> memref<128x32xf32, #tpu.memory_space<vmem>>
      %dma_start3A_562 = arith.constant 0 : i32
      %dma_start3A_563 = tpu.memref_slice %arg7[%add3A_545, %dma_start3A_562] : memref<104x128xi32, #tpu.memory_space<vmem>> -> memref<1x128xi32, #tpu.memory_space<vmem>>
      %dma_start3A_564 = tpu.memref_squeeze %dma_start3A_563 : memref<1x128xi32, #tpu.memory_space<vmem>> -> memref<128xi32, #tpu.memory_space<vmem>>
      %dma_start3A_565 = arith.constant 0 : i32
      %dma_start3A_566 = arith.constant 0 : i32
      %dma_start3A_567 = tpu.memref_slice %arg5[%dma_start3A_565, %dma_start3A_566] : memref<2097152x32xf32, #tpu.memory_space<hbm>> -> memref<2097152x32xf32, #tpu.memory_space<hbm>>
      tpu.enqueue_indirect_dma source(%dma_start3A_561 : memref<128x32xf32, #tpu.memory_space<vmem>>) target(%dma_start3A_567 : memref<2097152x32xf32, #tpu.memory_space<hbm>>) offsets(%dma_start3A_564 : memref<128xi32, #tpu.memory_space<vmem>>) semaphore(%arg29 : memref<!tpu.dma_semaphore, #tpu.memory_space<semaphore_mem>>)
      %add3A_568 = arith.constant 13 : i32
      %add3A_569 = arith.addi %add3A_545, %add3A_568 : i32
      %sub3A_570 = arith.constant 1 : i32
      %sub3A_571 = arith.subi %add3A_569, %sub3A_570 : i32
      %lt3A_572 = arith.constant 104 : i32
      %lt3A_573 = arith.cmpi slt, %sub3A_571, %lt3A_572 : i32
      %convert_element_type3A_574 = arith.extui %lt3A_573 : i1 to i32
      %cond3A_575 = arith.constant 0 : i32
      %cond3A_576 = arith.cmpi ne, %convert_element_type3A_574, %cond3A_575 : i32
      scf.if %cond3A_576 {
        %sub3A_742 = arith.constant 1 : i32
        %sub3A_743 = arith.subi %add3A_545, %sub3A_742 : i32
        %dma_wait3A_744 = arith.constant 6 : i32
        %dma_wait3A_745 = arith.constant 0 : i32
        %dma_wait3A_746 = arith.constant 0 : i32
        %dma_wait3A_747 = tpu.memref_slice %arg8[%dma_wait3A_744, %dma_wait3A_745, %dma_wait3A_746] : memref<13x128x32xf32, #tpu.memory_space<vmem>> -> memref<1x128x32xf32, #tpu.memory_space<vmem>>
        %dma_wait3A_748 = tpu.memref_squeeze %dma_wait3A_747 : memref<1x128x32xf32, #tpu.memory_space<vmem>> -> memref<128x32xf32, #tpu.memory_space<vmem>>
        %dma_wait3A_749 = arith.constant 0 : i32
        %dma_wait3A_750 = tpu.memref_slice %arg7[%sub3A_743, %dma_wait3A_749] : memref<104x128xi32, #tpu.memory_space<vmem>> -> memref<1x128xi32, #tpu.memory_space<vmem>>
        %dma_wait3A_751 = tpu.memref_squeeze %dma_wait3A_750 : memref<1x128xi32, #tpu.memory_space<vmem>> -> memref<128xi32, #tpu.memory_space<vmem>>
        %dma_wait3A_752 = arith.constant 0 : i32
        %dma_wait3A_753 = arith.constant 0 : i32
        %dma_wait3A_754 = tpu.memref_slice %arg5[%dma_wait3A_752, %dma_wait3A_753] : memref<2097152x32xf32, #tpu.memory_space<hbm>> -> memref<2097152x32xf32, #tpu.memory_space<hbm>>
        tpu.wait_indirect_dma semaphore(%arg28 : memref<!tpu.dma_semaphore, #tpu.memory_space<semaphore_mem>>) src(%dma_wait3A_748 : memref<128x32xf32, #tpu.memory_space<vmem>>) dst(%dma_wait3A_754 : memref<2097152x32xf32, #tpu.memory_space<hbm>>)
        %dma_start3A_755 = arith.constant 6 : i32
        %dma_start3A_756 = arith.constant 0 : i32
        %dma_start3A_757 = arith.constant 0 : i32
        %dma_start3A_758 = tpu.memref_slice %arg8[%dma_start3A_755, %dma_start3A_756, %dma_start3A_757] : memref<13x128x32xf32, #tpu.memory_space<vmem>> -> memref<1x128x32xf32, #tpu.memory_space<vmem>>
        %dma_start3A_759 = tpu.memref_squeeze %dma_start3A_758 : memref<1x128x32xf32, #tpu.memory_space<vmem>> -> memref<128x32xf32, #tpu.memory_space<vmem>>
        %dma_start3A_760 = arith.constant 0 : i32
        %dma_start3A_761 = tpu.memref_slice %arg6[%sub3A_571, %dma_start3A_760] : memref<104x128xi32, #tpu.memory_space<vmem>> -> memref<1x128xi32, #tpu.memory_space<vmem>>
        %dma_start3A_762 = tpu.memref_squeeze %dma_start3A_761 : memref<1x128xi32, #tpu.memory_space<vmem>> -> memref<128xi32, #tpu.memory_space<vmem>>
        %dma_start3A_763 = arith.constant 0 : i32
        %dma_start3A_764 = arith.constant 0 : i32
        %dma_start3A_765 = tpu.memref_slice %arg4[%dma_start3A_763, %dma_start3A_764] : memref<1000000x32xf32, #tpu.memory_space<hbm>> -> memref<1000000x32xf32, #tpu.memory_space<hbm>>
        tpu.enqueue_indirect_dma source(%dma_start3A_765 : memref<1000000x32xf32, #tpu.memory_space<hbm>>) target(%dma_start3A_759 : memref<128x32xf32, #tpu.memory_space<vmem>>) offsets(%dma_start3A_762 : memref<128xi32, #tpu.memory_space<vmem>>) semaphore(%arg15 : memref<!tpu.dma_semaphore, #tpu.memory_space<semaphore_mem>>)
      } else {
      }
      %add3A_577 = arith.constant 8 : i32
      %add3A_578 = arith.addi %mul3A_306, %add3A_577 : i32
      %dma_wait3A_579 = arith.constant 8 : i32
      %dma_wait3A_580 = arith.constant 0 : i32
      %dma_wait3A_581 = arith.constant 0 : i32
      %dma_wait3A_582 = tpu.memref_slice %arg8[%dma_wait3A_579, %dma_wait3A_580, %dma_wait3A_581] : memref<13x128x32xf32, #tpu.memory_space<vmem>> -> memref<1x128x32xf32, #tpu.memory_space<vmem>>
      %dma_wait3A_583 = tpu.memref_squeeze %dma_wait3A_582 : memref<1x128x32xf32, #tpu.memory_space<vmem>> -> memref<128x32xf32, #tpu.memory_space<vmem>>
      %dma_wait3A_584 = arith.constant 0 : i32
      %dma_wait3A_585 = tpu.memref_slice %arg6[%add3A_578, %dma_wait3A_584] : memref<104x128xi32, #tpu.memory_space<vmem>> -> memref<1x128xi32, #tpu.memory_space<vmem>>
      %dma_wait3A_586 = tpu.memref_squeeze %dma_wait3A_585 : memref<1x128xi32, #tpu.memory_space<vmem>> -> memref<128xi32, #tpu.memory_space<vmem>>
      %dma_wait3A_587 = arith.constant 0 : i32
      %dma_wait3A_588 = arith.constant 0 : i32
      %dma_wait3A_589 = tpu.memref_slice %arg4[%dma_wait3A_587, %dma_wait3A_588] : memref<1000000x32xf32, #tpu.memory_space<hbm>> -> memref<1000000x32xf32, #tpu.memory_space<hbm>>
      tpu.wait_indirect_dma semaphore(%arg17 : memref<!tpu.dma_semaphore, #tpu.memory_space<semaphore_mem>>) src(%dma_wait3A_589 : memref<1000000x32xf32, #tpu.memory_space<hbm>>) dst(%dma_wait3A_583 : memref<128x32xf32, #tpu.memory_space<vmem>>)
      %dma_start3A_590 = arith.constant 8 : i32
      %dma_start3A_591 = arith.constant 0 : i32
      %dma_start3A_592 = arith.constant 0 : i32
      %dma_start3A_593 = tpu.memref_slice %arg8[%dma_start3A_590, %dma_start3A_591, %dma_start3A_592] : memref<13x128x32xf32, #tpu.memory_space<vmem>> -> memref<1x128x32xf32, #tpu.memory_space<vmem>>
      %dma_start3A_594 = tpu.memref_squeeze %dma_start3A_593 : memref<1x128x32xf32, #tpu.memory_space<vmem>> -> memref<128x32xf32, #tpu.memory_space<vmem>>
      %dma_start3A_595 = arith.constant 0 : i32
      %dma_start3A_596 = tpu.memref_slice %arg7[%add3A_578, %dma_start3A_595] : memref<104x128xi32, #tpu.memory_space<vmem>> -> memref<1x128xi32, #tpu.memory_space<vmem>>
      %dma_start3A_597 = tpu.memref_squeeze %dma_start3A_596 : memref<1x128xi32, #tpu.memory_space<vmem>> -> memref<128xi32, #tpu.memory_space<vmem>>
      %dma_start3A_598 = arith.constant 0 : i32
      %dma_start3A_599 = arith.constant 0 : i32
      %dma_start3A_600 = tpu.memref_slice %arg5[%dma_start3A_598, %dma_start3A_599] : memref<2097152x32xf32, #tpu.memory_space<hbm>> -> memref<2097152x32xf32, #tpu.memory_space<hbm>>
      tpu.enqueue_indirect_dma source(%dma_start3A_594 : memref<128x32xf32, #tpu.memory_space<vmem>>) target(%dma_start3A_600 : memref<2097152x32xf32, #tpu.memory_space<hbm>>) offsets(%dma_start3A_597 : memref<128xi32, #tpu.memory_space<vmem>>) semaphore(%arg30 : memref<!tpu.dma_semaphore, #tpu.memory_space<semaphore_mem>>)
      %add3A_601 = arith.constant 13 : i32
      %add3A_602 = arith.addi %add3A_578, %add3A_601 : i32
      %sub3A_603 = arith.constant 1 : i32
      %sub3A_604 = arith.subi %add3A_602, %sub3A_603 : i32
      %lt3A_605 = arith.constant 104 : i32
      %lt3A_606 = arith.cmpi slt, %sub3A_604, %lt3A_605 : i32
      %convert_element_type3A_607 = arith.extui %lt3A_606 : i1 to i32
      %cond3A_608 = arith.constant 0 : i32
      %cond3A_609 = arith.cmpi ne, %convert_element_type3A_607, %cond3A_608 : i32
      scf.if %cond3A_609 {
        %sub3A_742 = arith.constant 1 : i32
        %sub3A_743 = arith.subi %add3A_578, %sub3A_742 : i32
        %dma_wait3A_744 = arith.constant 7 : i32
        %dma_wait3A_745 = arith.constant 0 : i32
        %dma_wait3A_746 = arith.constant 0 : i32
        %dma_wait3A_747 = tpu.memref_slice %arg8[%dma_wait3A_744, %dma_wait3A_745, %dma_wait3A_746] : memref<13x128x32xf32, #tpu.memory_space<vmem>> -> memref<1x128x32xf32, #tpu.memory_space<vmem>>
        %dma_wait3A_748 = tpu.memref_squeeze %dma_wait3A_747 : memref<1x128x32xf32, #tpu.memory_space<vmem>> -> memref<128x32xf32, #tpu.memory_space<vmem>>
        %dma_wait3A_749 = arith.constant 0 : i32
        %dma_wait3A_750 = tpu.memref_slice %arg7[%sub3A_743, %dma_wait3A_749] : memref<104x128xi32, #tpu.memory_space<vmem>> -> memref<1x128xi32, #tpu.memory_space<vmem>>
        %dma_wait3A_751 = tpu.memref_squeeze %dma_wait3A_750 : memref<1x128xi32, #tpu.memory_space<vmem>> -> memref<128xi32, #tpu.memory_space<vmem>>
        %dma_wait3A_752 = arith.constant 0 : i32
        %dma_wait3A_753 = arith.constant 0 : i32
        %dma_wait3A_754 = tpu.memref_slice %arg5[%dma_wait3A_752, %dma_wait3A_753] : memref<2097152x32xf32, #tpu.memory_space<hbm>> -> memref<2097152x32xf32, #tpu.memory_space<hbm>>
        tpu.wait_indirect_dma semaphore(%arg29 : memref<!tpu.dma_semaphore, #tpu.memory_space<semaphore_mem>>) src(%dma_wait3A_748 : memref<128x32xf32, #tpu.memory_space<vmem>>) dst(%dma_wait3A_754 : memref<2097152x32xf32, #tpu.memory_space<hbm>>)
        %dma_start3A_755 = arith.constant 7 : i32
        %dma_start3A_756 = arith.constant 0 : i32
        %dma_start3A_757 = arith.constant 0 : i32
        %dma_start3A_758 = tpu.memref_slice %arg8[%dma_start3A_755, %dma_start3A_756, %dma_start3A_757] : memref<13x128x32xf32, #tpu.memory_space<vmem>> -> memref<1x128x32xf32, #tpu.memory_space<vmem>>
        %dma_start3A_759 = tpu.memref_squeeze %dma_start3A_758 : memref<1x128x32xf32, #tpu.memory_space<vmem>> -> memref<128x32xf32, #tpu.memory_space<vmem>>
        %dma_start3A_760 = arith.constant 0 : i32
        %dma_start3A_761 = tpu.memref_slice %arg6[%sub3A_604, %dma_start3A_760] : memref<104x128xi32, #tpu.memory_space<vmem>> -> memref<1x128xi32, #tpu.memory_space<vmem>>
        %dma_start3A_762 = tpu.memref_squeeze %dma_start3A_761 : memref<1x128xi32, #tpu.memory_space<vmem>> -> memref<128xi32, #tpu.memory_space<vmem>>
        %dma_start3A_763 = arith.constant 0 : i32
        %dma_start3A_764 = arith.constant 0 : i32
        %dma_start3A_765 = tpu.memref_slice %arg4[%dma_start3A_763, %dma_start3A_764] : memref<1000000x32xf32, #tpu.memory_space<hbm>> -> memref<1000000x32xf32, #tpu.memory_space<hbm>>
        tpu.enqueue_indirect_dma source(%dma_start3A_765 : memref<1000000x32xf32, #tpu.memory_space<hbm>>) target(%dma_start3A_759 : memref<128x32xf32, #tpu.memory_space<vmem>>) offsets(%dma_start3A_762 : memref<128xi32, #tpu.memory_space<vmem>>) semaphore(%arg16 : memref<!tpu.dma_semaphore, #tpu.memory_space<semaphore_mem>>)
      } else {
      }
      %add3A_610 = arith.constant 9 : i32
      %add3A_611 = arith.addi %mul3A_306, %add3A_610 : i32
      %dma_wait3A_612 = arith.constant 9 : i32
      %dma_wait3A_613 = arith.constant 0 : i32
      %dma_wait3A_614 = arith.constant 0 : i32
      %dma_wait3A_615 = tpu.memref_slice %arg8[%dma_wait3A_612, %dma_wait3A_613, %dma_wait3A_614] : memref<13x128x32xf32, #tpu.memory_space<vmem>> -> memref<1x128x32xf32, #tpu.memory_space<vmem>>
      %dma_wait3A_616 = tpu.memref_squeeze %dma_wait3A_615 : memref<1x128x32xf32, #tpu.memory_space<vmem>> -> memref<128x32xf32, #tpu.memory_space<vmem>>
      %dma_wait3A_617 = arith.constant 0 : i32
      %dma_wait3A_618 = tpu.memref_slice %arg6[%add3A_611, %dma_wait3A_617] : memref<104x128xi32, #tpu.memory_space<vmem>> -> memref<1x128xi32, #tpu.memory_space<vmem>>
      %dma_wait3A_619 = tpu.memref_squeeze %dma_wait3A_618 : memref<1x128xi32, #tpu.memory_space<vmem>> -> memref<128xi32, #tpu.memory_space<vmem>>
      %dma_wait3A_620 = arith.constant 0 : i32
      %dma_wait3A_621 = arith.constant 0 : i32
      %dma_wait3A_622 = tpu.memref_slice %arg4[%dma_wait3A_620, %dma_wait3A_621] : memref<1000000x32xf32, #tpu.memory_space<hbm>> -> memref<1000000x32xf32, #tpu.memory_space<hbm>>
      tpu.wait_indirect_dma semaphore(%arg18 : memref<!tpu.dma_semaphore, #tpu.memory_space<semaphore_mem>>) src(%dma_wait3A_622 : memref<1000000x32xf32, #tpu.memory_space<hbm>>) dst(%dma_wait3A_616 : memref<128x32xf32, #tpu.memory_space<vmem>>)
      %dma_start3A_623 = arith.constant 9 : i32
      %dma_start3A_624 = arith.constant 0 : i32
      %dma_start3A_625 = arith.constant 0 : i32
      %dma_start3A_626 = tpu.memref_slice %arg8[%dma_start3A_623, %dma_start3A_624, %dma_start3A_625] : memref<13x128x32xf32, #tpu.memory_space<vmem>> -> memref<1x128x32xf32, #tpu.memory_space<vmem>>
      %dma_start3A_627 = tpu.memref_squeeze %dma_start3A_626 : memref<1x128x32xf32, #tpu.memory_space<vmem>> -> memref<128x32xf32, #tpu.memory_space<vmem>>
      %dma_start3A_628 = arith.constant 0 : i32
      %dma_start3A_629 = tpu.memref_slice %arg7[%add3A_611, %dma_start3A_628] : memref<104x128xi32, #tpu.memory_space<vmem>> -> memref<1x128xi32, #tpu.memory_space<vmem>>
      %dma_start3A_630 = tpu.memref_squeeze %dma_start3A_629 : memref<1x128xi32, #tpu.memory_space<vmem>> -> memref<128xi32, #tpu.memory_space<vmem>>
      %dma_start3A_631 = arith.constant 0 : i32
      %dma_start3A_632 = arith.constant 0 : i32
      %dma_start3A_633 = tpu.memref_slice %arg5[%dma_start3A_631, %dma_start3A_632] : memref<2097152x32xf32, #tpu.memory_space<hbm>> -> memref<2097152x32xf32, #tpu.memory_space<hbm>>
      tpu.enqueue_indirect_dma source(%dma_start3A_627 : memref<128x32xf32, #tpu.memory_space<vmem>>) target(%dma_start3A_633 : memref<2097152x32xf32, #tpu.memory_space<hbm>>) offsets(%dma_start3A_630 : memref<128xi32, #tpu.memory_space<vmem>>) semaphore(%arg31 : memref<!tpu.dma_semaphore, #tpu.memory_space<semaphore_mem>>)
      %add3A_634 = arith.constant 13 : i32
      %add3A_635 = arith.addi %add3A_611, %add3A_634 : i32
      %sub3A_636 = arith.constant 1 : i32
      %sub3A_637 = arith.subi %add3A_635, %sub3A_636 : i32
      %lt3A_638 = arith.constant 104 : i32
      %lt3A_639 = arith.cmpi slt, %sub3A_637, %lt3A_638 : i32
      %convert_element_type3A_640 = arith.extui %lt3A_639 : i1 to i32
      %cond3A_641 = arith.constant 0 : i32
      %cond3A_642 = arith.cmpi ne, %convert_element_type3A_640, %cond3A_641 : i32
      scf.if %cond3A_642 {
        %sub3A_742 = arith.constant 1 : i32
        %sub3A_743 = arith.subi %add3A_611, %sub3A_742 : i32
        %dma_wait3A_744 = arith.constant 8 : i32
        %dma_wait3A_745 = arith.constant 0 : i32
        %dma_wait3A_746 = arith.constant 0 : i32
        %dma_wait3A_747 = tpu.memref_slice %arg8[%dma_wait3A_744, %dma_wait3A_745, %dma_wait3A_746] : memref<13x128x32xf32, #tpu.memory_space<vmem>> -> memref<1x128x32xf32, #tpu.memory_space<vmem>>
        %dma_wait3A_748 = tpu.memref_squeeze %dma_wait3A_747 : memref<1x128x32xf32, #tpu.memory_space<vmem>> -> memref<128x32xf32, #tpu.memory_space<vmem>>
        %dma_wait3A_749 = arith.constant 0 : i32
        %dma_wait3A_750 = tpu.memref_slice %arg7[%sub3A_743, %dma_wait3A_749] : memref<104x128xi32, #tpu.memory_space<vmem>> -> memref<1x128xi32, #tpu.memory_space<vmem>>
        %dma_wait3A_751 = tpu.memref_squeeze %dma_wait3A_750 : memref<1x128xi32, #tpu.memory_space<vmem>> -> memref<128xi32, #tpu.memory_space<vmem>>
        %dma_wait3A_752 = arith.constant 0 : i32
        %dma_wait3A_753 = arith.constant 0 : i32
        %dma_wait3A_754 = tpu.memref_slice %arg5[%dma_wait3A_752, %dma_wait3A_753] : memref<2097152x32xf32, #tpu.memory_space<hbm>> -> memref<2097152x32xf32, #tpu.memory_space<hbm>>
        tpu.wait_indirect_dma semaphore(%arg30 : memref<!tpu.dma_semaphore, #tpu.memory_space<semaphore_mem>>) src(%dma_wait3A_748 : memref<128x32xf32, #tpu.memory_space<vmem>>) dst(%dma_wait3A_754 : memref<2097152x32xf32, #tpu.memory_space<hbm>>)
        %dma_start3A_755 = arith.constant 8 : i32
        %dma_start3A_756 = arith.constant 0 : i32
        %dma_start3A_757 = arith.constant 0 : i32
        %dma_start3A_758 = tpu.memref_slice %arg8[%dma_start3A_755, %dma_start3A_756, %dma_start3A_757] : memref<13x128x32xf32, #tpu.memory_space<vmem>> -> memref<1x128x32xf32, #tpu.memory_space<vmem>>
        %dma_start3A_759 = tpu.memref_squeeze %dma_start3A_758 : memref<1x128x32xf32, #tpu.memory_space<vmem>> -> memref<128x32xf32, #tpu.memory_space<vmem>>
        %dma_start3A_760 = arith.constant 0 : i32
        %dma_start3A_761 = tpu.memref_slice %arg6[%sub3A_637, %dma_start3A_760] : memref<104x128xi32, #tpu.memory_space<vmem>> -> memref<1x128xi32, #tpu.memory_space<vmem>>
        %dma_start3A_762 = tpu.memref_squeeze %dma_start3A_761 : memref<1x128xi32, #tpu.memory_space<vmem>> -> memref<128xi32, #tpu.memory_space<vmem>>
        %dma_start3A_763 = arith.constant 0 : i32
        %dma_start3A_764 = arith.constant 0 : i32
        %dma_start3A_765 = tpu.memref_slice %arg4[%dma_start3A_763, %dma_start3A_764] : memref<1000000x32xf32, #tpu.memory_space<hbm>> -> memref<1000000x32xf32, #tpu.memory_space<hbm>>
        tpu.enqueue_indirect_dma source(%dma_start3A_765 : memref<1000000x32xf32, #tpu.memory_space<hbm>>) target(%dma_start3A_759 : memref<128x32xf32, #tpu.memory_space<vmem>>) offsets(%dma_start3A_762 : memref<128xi32, #tpu.memory_space<vmem>>) semaphore(%arg17 : memref<!tpu.dma_semaphore, #tpu.memory_space<semaphore_mem>>)
      } else {
      }
      %add3A_643 = arith.constant 10 : i32
      %add3A_644 = arith.addi %mul3A_306, %add3A_643 : i32
      %dma_wait3A_645 = arith.constant 10 : i32
      %dma_wait3A_646 = arith.constant 0 : i32
      %dma_wait3A_647 = arith.constant 0 : i32
      %dma_wait3A_648 = tpu.memref_slice %arg8[%dma_wait3A_645, %dma_wait3A_646, %dma_wait3A_647] : memref<13x128x32xf32, #tpu.memory_space<vmem>> -> memref<1x128x32xf32, #tpu.memory_space<vmem>>
      %dma_wait3A_649 = tpu.memref_squeeze %dma_wait3A_648 : memref<1x128x32xf32, #tpu.memory_space<vmem>> -> memref<128x32xf32, #tpu.memory_space<vmem>>
      %dma_wait3A_650 = arith.constant 0 : i32
      %dma_wait3A_651 = tpu.memref_slice %arg6[%add3A_644, %dma_wait3A_650] : memref<104x128xi32, #tpu.memory_space<vmem>> -> memref<1x128xi32, #tpu.memory_space<vmem>>
      %dma_wait3A_652 = tpu.memref_squeeze %dma_wait3A_651 : memref<1x128xi32, #tpu.memory_space<vmem>> -> memref<128xi32, #tpu.memory_space<vmem>>
      %dma_wait3A_653 = arith.constant 0 : i32
      %dma_wait3A_654 = arith.constant 0 : i32
      %dma_wait3A_655 = tpu.memref_slice %arg4[%dma_wait3A_653, %dma_wait3A_654] : memref<1000000x32xf32, #tpu.memory_space<hbm>> -> memref<1000000x32xf32, #tpu.memory_space<hbm>>
      tpu.wait_indirect_dma semaphore(%arg19 : memref<!tpu.dma_semaphore, #tpu.memory_space<semaphore_mem>>) src(%dma_wait3A_655 : memref<1000000x32xf32, #tpu.memory_space<hbm>>) dst(%dma_wait3A_649 : memref<128x32xf32, #tpu.memory_space<vmem>>)
      %dma_start3A_656 = arith.constant 10 : i32
      %dma_start3A_657 = arith.constant 0 : i32
      %dma_start3A_658 = arith.constant 0 : i32
      %dma_start3A_659 = tpu.memref_slice %arg8[%dma_start3A_656, %dma_start3A_657, %dma_start3A_658] : memref<13x128x32xf32, #tpu.memory_space<vmem>> -> memref<1x128x32xf32, #tpu.memory_space<vmem>>
      %dma_start3A_660 = tpu.memref_squeeze %dma_start3A_659 : memref<1x128x32xf32, #tpu.memory_space<vmem>> -> memref<128x32xf32, #tpu.memory_space<vmem>>
      %dma_start3A_661 = arith.constant 0 : i32
      %dma_start3A_662 = tpu.memref_slice %arg7[%add3A_644, %dma_start3A_661] : memref<104x128xi32, #tpu.memory_space<vmem>> -> memref<1x128xi32, #tpu.memory_space<vmem>>
      %dma_start3A_663 = tpu.memref_squeeze %dma_start3A_662 : memref<1x128xi32, #tpu.memory_space<vmem>> -> memref<128xi32, #tpu.memory_space<vmem>>
      %dma_start3A_664 = arith.constant 0 : i32
      %dma_start3A_665 = arith.constant 0 : i32
      %dma_start3A_666 = tpu.memref_slice %arg5[%dma_start3A_664, %dma_start3A_665] : memref<2097152x32xf32, #tpu.memory_space<hbm>> -> memref<2097152x32xf32, #tpu.memory_space<hbm>>
      tpu.enqueue_indirect_dma source(%dma_start3A_660 : memref<128x32xf32, #tpu.memory_space<vmem>>) target(%dma_start3A_666 : memref<2097152x32xf32, #tpu.memory_space<hbm>>) offsets(%dma_start3A_663 : memref<128xi32, #tpu.memory_space<vmem>>) semaphore(%arg32 : memref<!tpu.dma_semaphore, #tpu.memory_space<semaphore_mem>>)
      %add3A_667 = arith.constant 13 : i32
      %add3A_668 = arith.addi %add3A_644, %add3A_667 : i32
      %sub3A_669 = arith.constant 1 : i32
      %sub3A_670 = arith.subi %add3A_668, %sub3A_669 : i32
      %lt3A_671 = arith.constant 104 : i32
      %lt3A_672 = arith.cmpi slt, %sub3A_670, %lt3A_671 : i32
      %convert_element_type3A_673 = arith.extui %lt3A_672 : i1 to i32
      %cond3A_674 = arith.constant 0 : i32
      %cond3A_675 = arith.cmpi ne, %convert_element_type3A_673, %cond3A_674 : i32
      scf.if %cond3A_675 {
        %sub3A_742 = arith.constant 1 : i32
        %sub3A_743 = arith.subi %add3A_644, %sub3A_742 : i32
        %dma_wait3A_744 = arith.constant 9 : i32
        %dma_wait3A_745 = arith.constant 0 : i32
        %dma_wait3A_746 = arith.constant 0 : i32
        %dma_wait3A_747 = tpu.memref_slice %arg8[%dma_wait3A_744, %dma_wait3A_745, %dma_wait3A_746] : memref<13x128x32xf32, #tpu.memory_space<vmem>> -> memref<1x128x32xf32, #tpu.memory_space<vmem>>
        %dma_wait3A_748 = tpu.memref_squeeze %dma_wait3A_747 : memref<1x128x32xf32, #tpu.memory_space<vmem>> -> memref<128x32xf32, #tpu.memory_space<vmem>>
        %dma_wait3A_749 = arith.constant 0 : i32
        %dma_wait3A_750 = tpu.memref_slice %arg7[%sub3A_743, %dma_wait3A_749] : memref<104x128xi32, #tpu.memory_space<vmem>> -> memref<1x128xi32, #tpu.memory_space<vmem>>
        %dma_wait3A_751 = tpu.memref_squeeze %dma_wait3A_750 : memref<1x128xi32, #tpu.memory_space<vmem>> -> memref<128xi32, #tpu.memory_space<vmem>>
        %dma_wait3A_752 = arith.constant 0 : i32
        %dma_wait3A_753 = arith.constant 0 : i32
        %dma_wait3A_754 = tpu.memref_slice %arg5[%dma_wait3A_752, %dma_wait3A_753] : memref<2097152x32xf32, #tpu.memory_space<hbm>> -> memref<2097152x32xf32, #tpu.memory_space<hbm>>
        tpu.wait_indirect_dma semaphore(%arg31 : memref<!tpu.dma_semaphore, #tpu.memory_space<semaphore_mem>>) src(%dma_wait3A_748 : memref<128x32xf32, #tpu.memory_space<vmem>>) dst(%dma_wait3A_754 : memref<2097152x32xf32, #tpu.memory_space<hbm>>)
        %dma_start3A_755 = arith.constant 9 : i32
        %dma_start3A_756 = arith.constant 0 : i32
        %dma_start3A_757 = arith.constant 0 : i32
        %dma_start3A_758 = tpu.memref_slice %arg8[%dma_start3A_755, %dma_start3A_756, %dma_start3A_757] : memref<13x128x32xf32, #tpu.memory_space<vmem>> -> memref<1x128x32xf32, #tpu.memory_space<vmem>>
        %dma_start3A_759 = tpu.memref_squeeze %dma_start3A_758 : memref<1x128x32xf32, #tpu.memory_space<vmem>> -> memref<128x32xf32, #tpu.memory_space<vmem>>
        %dma_start3A_760 = arith.constant 0 : i32
        %dma_start3A_761 = tpu.memref_slice %arg6[%sub3A_670, %dma_start3A_760] : memref<104x128xi32, #tpu.memory_space<vmem>> -> memref<1x128xi32, #tpu.memory_space<vmem>>
        %dma_start3A_762 = tpu.memref_squeeze %dma_start3A_761 : memref<1x128xi32, #tpu.memory_space<vmem>> -> memref<128xi32, #tpu.memory_space<vmem>>
        %dma_start3A_763 = arith.constant 0 : i32
        %dma_start3A_764 = arith.constant 0 : i32
        %dma_start3A_765 = tpu.memref_slice %arg4[%dma_start3A_763, %dma_start3A_764] : memref<1000000x32xf32, #tpu.memory_space<hbm>> -> memref<1000000x32xf32, #tpu.memory_space<hbm>>
        tpu.enqueue_indirect_dma source(%dma_start3A_765 : memref<1000000x32xf32, #tpu.memory_space<hbm>>) target(%dma_start3A_759 : memref<128x32xf32, #tpu.memory_space<vmem>>) offsets(%dma_start3A_762 : memref<128xi32, #tpu.memory_space<vmem>>) semaphore(%arg18 : memref<!tpu.dma_semaphore, #tpu.memory_space<semaphore_mem>>)
      } else {
      }
      %add3A_676 = arith.constant 11 : i32
      %add3A_677 = arith.addi %mul3A_306, %add3A_676 : i32
      %dma_wait3A_678 = arith.constant 11 : i32
      %dma_wait3A_679 = arith.constant 0 : i32
      %dma_wait3A_680 = arith.constant 0 : i32
      %dma_wait3A_681 = tpu.memref_slice %arg8[%dma_wait3A_678, %dma_wait3A_679, %dma_wait3A_680] : memref<13x128x32xf32, #tpu.memory_space<vmem>> -> memref<1x128x32xf32, #tpu.memory_space<vmem>>
      %dma_wait3A_682 = tpu.memref_squeeze %dma_wait3A_681 : memref<1x128x32xf32, #tpu.memory_space<vmem>> -> memref<128x32xf32, #tpu.memory_space<vmem>>
      %dma_wait3A_683 = arith.constant 0 : i32
      %dma_wait3A_684 = tpu.memref_slice %arg6[%add3A_677, %dma_wait3A_683] : memref<104x128xi32, #tpu.memory_space<vmem>> -> memref<1x128xi32, #tpu.memory_space<vmem>>
      %dma_wait3A_685 = tpu.memref_squeeze %dma_wait3A_684 : memref<1x128xi32, #tpu.memory_space<vmem>> -> memref<128xi32, #tpu.memory_space<vmem>>
      %dma_wait3A_686 = arith.constant 0 : i32
      %dma_wait3A_687 = arith.constant 0 : i32
      %dma_wait3A_688 = tpu.memref_slice %arg4[%dma_wait3A_686, %dma_wait3A_687] : memref<1000000x32xf32, #tpu.memory_space<hbm>> -> memref<1000000x32xf32, #tpu.memory_space<hbm>>
      tpu.wait_indirect_dma semaphore(%arg20 : memref<!tpu.dma_semaphore, #tpu.memory_space<semaphore_mem>>) src(%dma_wait3A_688 : memref<1000000x32xf32, #tpu.memory_space<hbm>>) dst(%dma_wait3A_682 : memref<128x32xf32, #tpu.memory_space<vmem>>)
      %dma_start3A_689 = arith.constant 11 : i32
      %dma_start3A_690 = arith.constant 0 : i32
      %dma_start3A_691 = arith.constant 0 : i32
      %dma_start3A_692 = tpu.memref_slice %arg8[%dma_start3A_689, %dma_start3A_690, %dma_start3A_691] : memref<13x128x32xf32, #tpu.memory_space<vmem>> -> memref<1x128x32xf32, #tpu.memory_space<vmem>>
      %dma_start3A_693 = tpu.memref_squeeze %dma_start3A_692 : memref<1x128x32xf32, #tpu.memory_space<vmem>> -> memref<128x32xf32, #tpu.memory_space<vmem>>
      %dma_start3A_694 = arith.constant 0 : i32
      %dma_start3A_695 = tpu.memref_slice %arg7[%add3A_677, %dma_start3A_694] : memref<104x128xi32, #tpu.memory_space<vmem>> -> memref<1x128xi32, #tpu.memory_space<vmem>>
      %dma_start3A_696 = tpu.memref_squeeze %dma_start3A_695 : memref<1x128xi32, #tpu.memory_space<vmem>> -> memref<128xi32, #tpu.memory_space<vmem>>
      %dma_start3A_697 = arith.constant 0 : i32
      %dma_start3A_698 = arith.constant 0 : i32
      %dma_start3A_699 = tpu.memref_slice %arg5[%dma_start3A_697, %dma_start3A_698] : memref<2097152x32xf32, #tpu.memory_space<hbm>> -> memref<2097152x32xf32, #tpu.memory_space<hbm>>
      tpu.enqueue_indirect_dma source(%dma_start3A_693 : memref<128x32xf32, #tpu.memory_space<vmem>>) target(%dma_start3A_699 : memref<2097152x32xf32, #tpu.memory_space<hbm>>) offsets(%dma_start3A_696 : memref<128xi32, #tpu.memory_space<vmem>>) semaphore(%arg33 : memref<!tpu.dma_semaphore, #tpu.memory_space<semaphore_mem>>)
      %add3A_700 = arith.constant 13 : i32
      %add3A_701 = arith.addi %add3A_677, %add3A_700 : i32
      %sub3A_702 = arith.constant 1 : i32
      %sub3A_703 = arith.subi %add3A_701, %sub3A_702 : i32
      %lt3A_704 = arith.constant 104 : i32
      %lt3A_705 = arith.cmpi slt, %sub3A_703, %lt3A_704 : i32
      %convert_element_type3A_706 = arith.extui %lt3A_705 : i1 to i32
      %cond3A_707 = arith.constant 0 : i32
      %cond3A_708 = arith.cmpi ne, %convert_element_type3A_706, %cond3A_707 : i32
      scf.if %cond3A_708 {
        %sub3A_742 = arith.constant 1 : i32
        %sub3A_743 = arith.subi %add3A_677, %sub3A_742 : i32
        %dma_wait3A_744 = arith.constant 10 : i32
        %dma_wait3A_745 = arith.constant 0 : i32
        %dma_wait3A_746 = arith.constant 0 : i32
        %dma_wait3A_747 = tpu.memref_slice %arg8[%dma_wait3A_744, %dma_wait3A_745, %dma_wait3A_746] : memref<13x128x32xf32, #tpu.memory_space<vmem>> -> memref<1x128x32xf32, #tpu.memory_space<vmem>>
        %dma_wait3A_748 = tpu.memref_squeeze %dma_wait3A_747 : memref<1x128x32xf32, #tpu.memory_space<vmem>> -> memref<128x32xf32, #tpu.memory_space<vmem>>
        %dma_wait3A_749 = arith.constant 0 : i32
        %dma_wait3A_750 = tpu.memref_slice %arg7[%sub3A_743, %dma_wait3A_749] : memref<104x128xi32, #tpu.memory_space<vmem>> -> memref<1x128xi32, #tpu.memory_space<vmem>>
        %dma_wait3A_751 = tpu.memref_squeeze %dma_wait3A_750 : memref<1x128xi32, #tpu.memory_space<vmem>> -> memref<128xi32, #tpu.memory_space<vmem>>
        %dma_wait3A_752 = arith.constant 0 : i32
        %dma_wait3A_753 = arith.constant 0 : i32
        %dma_wait3A_754 = tpu.memref_slice %arg5[%dma_wait3A_752, %dma_wait3A_753] : memref<2097152x32xf32, #tpu.memory_space<hbm>> -> memref<2097152x32xf32, #tpu.memory_space<hbm>>
        tpu.wait_indirect_dma semaphore(%arg32 : memref<!tpu.dma_semaphore, #tpu.memory_space<semaphore_mem>>) src(%dma_wait3A_748 : memref<128x32xf32, #tpu.memory_space<vmem>>) dst(%dma_wait3A_754 : memref<2097152x32xf32, #tpu.memory_space<hbm>>)
        %dma_start3A_755 = arith.constant 10 : i32
        %dma_start3A_756 = arith.constant 0 : i32
        %dma_start3A_757 = arith.constant 0 : i32
        %dma_start3A_758 = tpu.memref_slice %arg8[%dma_start3A_755, %dma_start3A_756, %dma_start3A_757] : memref<13x128x32xf32, #tpu.memory_space<vmem>> -> memref<1x128x32xf32, #tpu.memory_space<vmem>>
        %dma_start3A_759 = tpu.memref_squeeze %dma_start3A_758 : memref<1x128x32xf32, #tpu.memory_space<vmem>> -> memref<128x32xf32, #tpu.memory_space<vmem>>
        %dma_start3A_760 = arith.constant 0 : i32
        %dma_start3A_761 = tpu.memref_slice %arg6[%sub3A_703, %dma_start3A_760] : memref<104x128xi32, #tpu.memory_space<vmem>> -> memref<1x128xi32, #tpu.memory_space<vmem>>
        %dma_start3A_762 = tpu.memref_squeeze %dma_start3A_761 : memref<1x128xi32, #tpu.memory_space<vmem>> -> memref<128xi32, #tpu.memory_space<vmem>>
        %dma_start3A_763 = arith.constant 0 : i32
        %dma_start3A_764 = arith.constant 0 : i32
        %dma_start3A_765 = tpu.memref_slice %arg4[%dma_start3A_763, %dma_start3A_764] : memref<1000000x32xf32, #tpu.memory_space<hbm>> -> memref<1000000x32xf32, #tpu.memory_space<hbm>>
        tpu.enqueue_indirect_dma source(%dma_start3A_765 : memref<1000000x32xf32, #tpu.memory_space<hbm>>) target(%dma_start3A_759 : memref<128x32xf32, #tpu.memory_space<vmem>>) offsets(%dma_start3A_762 : memref<128xi32, #tpu.memory_space<vmem>>) semaphore(%arg19 : memref<!tpu.dma_semaphore, #tpu.memory_space<semaphore_mem>>)
      } else {
      }
      %add3A_709 = arith.constant 12 : i32
      %add3A_710 = arith.addi %mul3A_306, %add3A_709 : i32
      %dma_wait3A_711 = arith.constant 12 : i32
      %dma_wait3A_712 = arith.constant 0 : i32
      %dma_wait3A_713 = arith.constant 0 : i32
      %dma_wait3A_714 = tpu.memref_slice %arg8[%dma_wait3A_711, %dma_wait3A_712, %dma_wait3A_713] : memref<13x128x32xf32, #tpu.memory_space<vmem>> -> memref<1x128x32xf32, #tpu.memory_space<vmem>>
      %dma_wait3A_715 = tpu.memref_squeeze %dma_wait3A_714 : memref<1x128x32xf32, #tpu.memory_space<vmem>> -> memref<128x32xf32, #tpu.memory_space<vmem>>
      %dma_wait3A_716 = arith.constant 0 : i32
      %dma_wait3A_717 = tpu.memref_slice %arg6[%add3A_710, %dma_wait3A_716] : memref<104x128xi32, #tpu.memory_space<vmem>> -> memref<1x128xi32, #tpu.memory_space<vmem>>
      %dma_wait3A_718 = tpu.memref_squeeze %dma_wait3A_717 : memref<1x128xi32, #tpu.memory_space<vmem>> -> memref<128xi32, #tpu.memory_space<vmem>>
      %dma_wait3A_719 = arith.constant 0 : i32
      %dma_wait3A_720 = arith.constant 0 : i32
      %dma_wait3A_721 = tpu.memref_slice %arg4[%dma_wait3A_719, %dma_wait3A_720] : memref<1000000x32xf32, #tpu.memory_space<hbm>> -> memref<1000000x32xf32, #tpu.memory_space<hbm>>
      tpu.wait_indirect_dma semaphore(%arg21 : memref<!tpu.dma_semaphore, #tpu.memory_space<semaphore_mem>>) src(%dma_wait3A_721 : memref<1000000x32xf32, #tpu.memory_space<hbm>>) dst(%dma_wait3A_715 : memref<128x32xf32, #tpu.memory_space<vmem>>)
      %dma_start3A_722 = arith.constant 12 : i32
      %dma_start3A_723 = arith.constant 0 : i32
      %dma_start3A_724 = arith.constant 0 : i32
      %dma_start3A_725 = tpu.memref_slice %arg8[%dma_start3A_722, %dma_start3A_723, %dma_start3A_724] : memref<13x128x32xf32, #tpu.memory_space<vmem>> -> memref<1x128x32xf32, #tpu.memory_space<vmem>>
      %dma_start3A_726 = tpu.memref_squeeze %dma_start3A_725 : memref<1x128x32xf32, #tpu.memory_space<vmem>> -> memref<128x32xf32, #tpu.memory_space<vmem>>
      %dma_start3A_727 = arith.constant 0 : i32
      %dma_start3A_728 = tpu.memref_slice %arg7[%add3A_710, %dma_start3A_727] : memref<104x128xi32, #tpu.memory_space<vmem>> -> memref<1x128xi32, #tpu.memory_space<vmem>>
      %dma_start3A_729 = tpu.memref_squeeze %dma_start3A_728 : memref<1x128xi32, #tpu.memory_space<vmem>> -> memref<128xi32, #tpu.memory_space<vmem>>
      %dma_start3A_730 = arith.constant 0 : i32
      %dma_start3A_731 = arith.constant 0 : i32
      %dma_start3A_732 = tpu.memref_slice %arg5[%dma_start3A_730, %dma_start3A_731] : memref<2097152x32xf32, #tpu.memory_space<hbm>> -> memref<2097152x32xf32, #tpu.memory_space<hbm>>
      tpu.enqueue_indirect_dma source(%dma_start3A_726 : memref<128x32xf32, #tpu.memory_space<vmem>>) target(%dma_start3A_732 : memref<2097152x32xf32, #tpu.memory_space<hbm>>) offsets(%dma_start3A_729 : memref<128xi32, #tpu.memory_space<vmem>>) semaphore(%arg34 : memref<!tpu.dma_semaphore, #tpu.memory_space<semaphore_mem>>)
      %add3A_733 = arith.constant 13 : i32
      %add3A_734 = arith.addi %add3A_710, %add3A_733 : i32
      %sub3A_735 = arith.constant 1 : i32
      %sub3A_736 = arith.subi %add3A_734, %sub3A_735 : i32
      %lt3A_737 = arith.constant 104 : i32
      %lt3A_738 = arith.cmpi slt, %sub3A_736, %lt3A_737 : i32
      %convert_element_type3A_739 = arith.extui %lt3A_738 : i1 to i32
      %cond3A_740 = arith.constant 0 : i32
      %cond3A_741 = arith.cmpi ne, %convert_element_type3A_739, %cond3A_740 : i32
      scf.if %cond3A_741 {
        %sub3A_742 = arith.constant 1 : i32
        %sub3A_743 = arith.subi %add3A_710, %sub3A_742 : i32
        %dma_wait3A_744 = arith.constant 11 : i32
        %dma_wait3A_745 = arith.constant 0 : i32
        %dma_wait3A_746 = arith.constant 0 : i32
        %dma_wait3A_747 = tpu.memref_slice %arg8[%dma_wait3A_744, %dma_wait3A_745, %dma_wait3A_746] : memref<13x128x32xf32, #tpu.memory_space<vmem>> -> memref<1x128x32xf32, #tpu.memory_space<vmem>>
        %dma_wait3A_748 = tpu.memref_squeeze %dma_wait3A_747 : memref<1x128x32xf32, #tpu.memory_space<vmem>> -> memref<128x32xf32, #tpu.memory_space<vmem>>
        %dma_wait3A_749 = arith.constant 0 : i32
        %dma_wait3A_750 = tpu.memref_slice %arg7[%sub3A_743, %dma_wait3A_749] : memref<104x128xi32, #tpu.memory_space<vmem>> -> memref<1x128xi32, #tpu.memory_space<vmem>>
        %dma_wait3A_751 = tpu.memref_squeeze %dma_wait3A_750 : memref<1x128xi32, #tpu.memory_space<vmem>> -> memref<128xi32, #tpu.memory_space<vmem>>
        %dma_wait3A_752 = arith.constant 0 : i32
        %dma_wait3A_753 = arith.constant 0 : i32
        %dma_wait3A_754 = tpu.memref_slice %arg5[%dma_wait3A_752, %dma_wait3A_753] : memref<2097152x32xf32, #tpu.memory_space<hbm>> -> memref<2097152x32xf32, #tpu.memory_space<hbm>>
        tpu.wait_indirect_dma semaphore(%arg33 : memref<!tpu.dma_semaphore, #tpu.memory_space<semaphore_mem>>) src(%dma_wait3A_748 : memref<128x32xf32, #tpu.memory_space<vmem>>) dst(%dma_wait3A_754 : memref<2097152x32xf32, #tpu.memory_space<hbm>>)
        %dma_start3A_755 = arith.constant 11 : i32
        %dma_start3A_756 = arith.constant 0 : i32
        %dma_start3A_757 = arith.constant 0 : i32
        %dma_start3A_758 = tpu.memref_slice %arg8[%dma_start3A_755, %dma_start3A_756, %dma_start3A_757] : memref<13x128x32xf32, #tpu.memory_space<vmem>> -> memref<1x128x32xf32, #tpu.memory_space<vmem>>
        %dma_start3A_759 = tpu.memref_squeeze %dma_start3A_758 : memref<1x128x32xf32, #tpu.memory_space<vmem>> -> memref<128x32xf32, #tpu.memory_space<vmem>>
        %dma_start3A_760 = arith.constant 0 : i32
        %dma_start3A_761 = tpu.memref_slice %arg6[%sub3A_736, %dma_start3A_760] : memref<104x128xi32, #tpu.memory_space<vmem>> -> memref<1x128xi32, #tpu.memory_space<vmem>>
        %dma_start3A_762 = tpu.memref_squeeze %dma_start3A_761 : memref<1x128xi32, #tpu.memory_space<vmem>> -> memref<128xi32, #tpu.memory_space<vmem>>
        %dma_start3A_763 = arith.constant 0 : i32
        %dma_start3A_764 = arith.constant 0 : i32
        %dma_start3A_765 = tpu.memref_slice %arg4[%dma_start3A_763, %dma_start3A_764] : memref<1000000x32xf32, #tpu.memory_space<hbm>> -> memref<1000000x32xf32, #tpu.memory_space<hbm>>
        tpu.enqueue_indirect_dma source(%dma_start3A_765 : memref<1000000x32xf32, #tpu.memory_space<hbm>>) target(%dma_start3A_759 : memref<128x32xf32, #tpu.memory_space<vmem>>) offsets(%dma_start3A_762 : memref<128xi32, #tpu.memory_space<vmem>>) semaphore(%arg20 : memref<!tpu.dma_semaphore, #tpu.memory_space<semaphore_mem>>)
      } else {
      }
    }
    %scan3A_148 = arith.constant 8 : i32
    %dma_wait3A = arith.constant 0 : i32
    %dma_wait3A_149 = arith.constant 91 : i32
    %dma_wait3A_150 = arith.constant 0 : i32
    %dma_wait3A_151 = arith.constant 0 : i32
    %dma_wait3A_152 = tpu.memref_slice %arg8[%dma_wait3A, %dma_wait3A_150, %dma_wait3A_151] : memref<13x128x32xf32, #tpu.memory_space<vmem>> -> memref<1x128x32xf32, #tpu.memory_space<vmem>>
    %dma_wait3A_153 = tpu.memref_squeeze %dma_wait3A_152 : memref<1x128x32xf32, #tpu.memory_space<vmem>> -> memref<128x32xf32, #tpu.memory_space<vmem>>
    %dma_wait3A_154 = arith.constant 0 : i32
    %dma_wait3A_155 = tpu.memref_slice %arg7[%dma_wait3A_149, %dma_wait3A_154] : memref<104x128xi32, #tpu.memory_space<vmem>> -> memref<1x128xi32, #tpu.memory_space<vmem>>
    %dma_wait3A_156 = tpu.memref_squeeze %dma_wait3A_155 : memref<1x128xi32, #tpu.memory_space<vmem>> -> memref<128xi32, #tpu.memory_space<vmem>>
    %dma_wait3A_157 = arith.constant 0 : i32
    %dma_wait3A_158 = arith.constant 0 : i32
    %dma_wait3A_159 = tpu.memref_slice %arg5[%dma_wait3A_157, %dma_wait3A_158] : memref<2097152x32xf32, #tpu.memory_space<hbm>> -> memref<2097152x32xf32, #tpu.memory_space<hbm>>
    tpu.wait_indirect_dma semaphore(%arg22 : memref<!tpu.dma_semaphore, #tpu.memory_space<semaphore_mem>>) src(%dma_wait3A_153 : memref<128x32xf32, #tpu.memory_space<vmem>>) dst(%dma_wait3A_159 : memref<2097152x32xf32, #tpu.memory_space<hbm>>)
    %dma_wait3A_160 = arith.constant 1 : i32
    %dma_wait3A_161 = arith.constant 92 : i32
    %dma_wait3A_162 = arith.constant 0 : i32
    %dma_wait3A_163 = arith.constant 0 : i32
    %dma_wait3A_164 = tpu.memref_slice %arg8[%dma_wait3A_160, %dma_wait3A_162, %dma_wait3A_163] : memref<13x128x32xf32, #tpu.memory_space<vmem>> -> memref<1x128x32xf32, #tpu.memory_space<vmem>>
    %dma_wait3A_165 = tpu.memref_squeeze %dma_wait3A_164 : memref<1x128x32xf32, #tpu.memory_space<vmem>> -> memref<128x32xf32, #tpu.memory_space<vmem>>
    %dma_wait3A_166 = arith.constant 0 : i32
    %dma_wait3A_167 = tpu.memref_slice %arg7[%dma_wait3A_161, %dma_wait3A_166] : memref<104x128xi32, #tpu.memory_space<vmem>> -> memref<1x128xi32, #tpu.memory_space<vmem>>
    %dma_wait3A_168 = tpu.memref_squeeze %dma_wait3A_167 : memref<1x128xi32, #tpu.memory_space<vmem>> -> memref<128xi32, #tpu.memory_space<vmem>>
    %dma_wait3A_169 = arith.constant 0 : i32
    %dma_wait3A_170 = arith.constant 0 : i32
    %dma_wait3A_171 = tpu.memref_slice %arg5[%dma_wait3A_169, %dma_wait3A_170] : memref<2097152x32xf32, #tpu.memory_space<hbm>> -> memref<2097152x32xf32, #tpu.memory_space<hbm>>
    tpu.wait_indirect_dma semaphore(%arg23 : memref<!tpu.dma_semaphore, #tpu.memory_space<semaphore_mem>>) src(%dma_wait3A_165 : memref<128x32xf32, #tpu.memory_space<vmem>>) dst(%dma_wait3A_171 : memref<2097152x32xf32, #tpu.memory_space<hbm>>)
    %dma_wait3A_172 = arith.constant 2 : i32
    %dma_wait3A_173 = arith.constant 93 : i32
    %dma_wait3A_174 = arith.constant 0 : i32
    %dma_wait3A_175 = arith.constant 0 : i32
    %dma_wait3A_176 = tpu.memref_slice %arg8[%dma_wait3A_172, %dma_wait3A_174, %dma_wait3A_175] : memref<13x128x32xf32, #tpu.memory_space<vmem>> -> memref<1x128x32xf32, #tpu.memory_space<vmem>>
    %dma_wait3A_177 = tpu.memref_squeeze %dma_wait3A_176 : memref<1x128x32xf32, #tpu.memory_space<vmem>> -> memref<128x32xf32, #tpu.memory_space<vmem>>
    %dma_wait3A_178 = arith.constant 0 : i32
    %dma_wait3A_179 = tpu.memref_slice %arg7[%dma_wait3A_173, %dma_wait3A_178] : memref<104x128xi32, #tpu.memory_space<vmem>> -> memref<1x128xi32, #tpu.memory_space<vmem>>
    %dma_wait3A_180 = tpu.memref_squeeze %dma_wait3A_179 : memref<1x128xi32, #tpu.memory_space<vmem>> -> memref<128xi32, #tpu.memory_space<vmem>>
    %dma_wait3A_181 = arith.constant 0 : i32
    %dma_wait3A_182 = arith.constant 0 : i32
    %dma_wait3A_183 = tpu.memref_slice %arg5[%dma_wait3A_181, %dma_wait3A_182] : memref<2097152x32xf32, #tpu.memory_space<hbm>> -> memref<2097152x32xf32, #tpu.memory_space<hbm>>
    tpu.wait_indirect_dma semaphore(%arg24 : memref<!tpu.dma_semaphore, #tpu.memory_space<semaphore_mem>>) src(%dma_wait3A_177 : memref<128x32xf32, #tpu.memory_space<vmem>>) dst(%dma_wait3A_183 : memref<2097152x32xf32, #tpu.memory_space<hbm>>)
    %dma_wait3A_184 = arith.constant 3 : i32
    %dma_wait3A_185 = arith.constant 94 : i32
    %dma_wait3A_186 = arith.constant 0 : i32
    %dma_wait3A_187 = arith.constant 0 : i32
    %dma_wait3A_188 = tpu.memref_slice %arg8[%dma_wait3A_184, %dma_wait3A_186, %dma_wait3A_187] : memref<13x128x32xf32, #tpu.memory_space<vmem>> -> memref<1x128x32xf32, #tpu.memory_space<vmem>>
    %dma_wait3A_189 = tpu.memref_squeeze %dma_wait3A_188 : memref<1x128x32xf32, #tpu.memory_space<vmem>> -> memref<128x32xf32, #tpu.memory_space<vmem>>
    %dma_wait3A_190 = arith.constant 0 : i32
    %dma_wait3A_191 = tpu.memref_slice %arg7[%dma_wait3A_185, %dma_wait3A_190] : memref<104x128xi32, #tpu.memory_space<vmem>> -> memref<1x128xi32, #tpu.memory_space<vmem>>
    %dma_wait3A_192 = tpu.memref_squeeze %dma_wait3A_191 : memref<1x128xi32, #tpu.memory_space<vmem>> -> memref<128xi32, #tpu.memory_space<vmem>>
    %dma_wait3A_193 = arith.constant 0 : i32
    %dma_wait3A_194 = arith.constant 0 : i32
    %dma_wait3A_195 = tpu.memref_slice %arg5[%dma_wait3A_193, %dma_wait3A_194] : memref<2097152x32xf32, #tpu.memory_space<hbm>> -> memref<2097152x32xf32, #tpu.memory_space<hbm>>
    tpu.wait_indirect_dma semaphore(%arg25 : memref<!tpu.dma_semaphore, #tpu.memory_space<semaphore_mem>>) src(%dma_wait3A_189 : memref<128x32xf32, #tpu.memory_space<vmem>>) dst(%dma_wait3A_195 : memref<2097152x32xf32, #tpu.memory_space<hbm>>)
    %dma_wait3A_196 = arith.constant 4 : i32
    %dma_wait3A_197 = arith.constant 95 : i32
    %dma_wait3A_198 = arith.constant 0 : i32
    %dma_wait3A_199 = arith.constant 0 : i32
    %dma_wait3A_200 = tpu.memref_slice %arg8[%dma_wait3A_196, %dma_wait3A_198, %dma_wait3A_199] : memref<13x128x32xf32, #tpu.memory_space<vmem>> -> memref<1x128x32xf32, #tpu.memory_space<vmem>>
    %dma_wait3A_201 = tpu.memref_squeeze %dma_wait3A_200 : memref<1x128x32xf32, #tpu.memory_space<vmem>> -> memref<128x32xf32, #tpu.memory_space<vmem>>
    %dma_wait3A_202 = arith.constant 0 : i32
    %dma_wait3A_203 = tpu.memref_slice %arg7[%dma_wait3A_197, %dma_wait3A_202] : memref<104x128xi32, #tpu.memory_space<vmem>> -> memref<1x128xi32, #tpu.memory_space<vmem>>
    %dma_wait3A_204 = tpu.memref_squeeze %dma_wait3A_203 : memref<1x128xi32, #tpu.memory_space<vmem>> -> memref<128xi32, #tpu.memory_space<vmem>>
    %dma_wait3A_205 = arith.constant 0 : i32
    %dma_wait3A_206 = arith.constant 0 : i32
    %dma_wait3A_207 = tpu.memref_slice %arg5[%dma_wait3A_205, %dma_wait3A_206] : memref<2097152x32xf32, #tpu.memory_space<hbm>> -> memref<2097152x32xf32, #tpu.memory_space<hbm>>
    tpu.wait_indirect_dma semaphore(%arg26 : memref<!tpu.dma_semaphore, #tpu.memory_space<semaphore_mem>>) src(%dma_wait3A_201 : memref<128x32xf32, #tpu.memory_space<vmem>>) dst(%dma_wait3A_207 : memref<2097152x32xf32, #tpu.memory_space<hbm>>)
    %dma_wait3A_208 = arith.constant 5 : i32
    %dma_wait3A_209 = arith.constant 96 : i32
    %dma_wait3A_210 = arith.constant 0 : i32
    %dma_wait3A_211 = arith.constant 0 : i32
    %dma_wait3A_212 = tpu.memref_slice %arg8[%dma_wait3A_208, %dma_wait3A_210, %dma_wait3A_211] : memref<13x128x32xf32, #tpu.memory_space<vmem>> -> memref<1x128x32xf32, #tpu.memory_space<vmem>>
    %dma_wait3A_213 = tpu.memref_squeeze %dma_wait3A_212 : memref<1x128x32xf32, #tpu.memory_space<vmem>> -> memref<128x32xf32, #tpu.memory_space<vmem>>
    %dma_wait3A_214 = arith.constant 0 : i32
    %dma_wait3A_215 = tpu.memref_slice %arg7[%dma_wait3A_209, %dma_wait3A_214] : memref<104x128xi32, #tpu.memory_space<vmem>> -> memref<1x128xi32, #tpu.memory_space<vmem>>
    %dma_wait3A_216 = tpu.memref_squeeze %dma_wait3A_215 : memref<1x128xi32, #tpu.memory_space<vmem>> -> memref<128xi32, #tpu.memory_space<vmem>>
    %dma_wait3A_217 = arith.constant 0 : i32
    %dma_wait3A_218 = arith.constant 0 : i32
    %dma_wait3A_219 = tpu.memref_slice %arg5[%dma_wait3A_217, %dma_wait3A_218] : memref<2097152x32xf32, #tpu.memory_space<hbm>> -> memref<2097152x32xf32, #tpu.memory_space<hbm>>
    tpu.wait_indirect_dma semaphore(%arg27 : memref<!tpu.dma_semaphore, #tpu.memory_space<semaphore_mem>>) src(%dma_wait3A_213 : memref<128x32xf32, #tpu.memory_space<vmem>>) dst(%dma_wait3A_219 : memref<2097152x32xf32, #tpu.memory_space<hbm>>)
    %dma_wait3A_220 = arith.constant 6 : i32
    %dma_wait3A_221 = arith.constant 97 : i32
    %dma_wait3A_222 = arith.constant 0 : i32
    %dma_wait3A_223 = arith.constant 0 : i32
    %dma_wait3A_224 = tpu.memref_slice %arg8[%dma_wait3A_220, %dma_wait3A_222, %dma_wait3A_223] : memref<13x128x32xf32, #tpu.memory_space<vmem>> -> memref<1x128x32xf32, #tpu.memory_space<vmem>>
    %dma_wait3A_225 = tpu.memref_squeeze %dma_wait3A_224 : memref<1x128x32xf32, #tpu.memory_space<vmem>> -> memref<128x32xf32, #tpu.memory_space<vmem>>
    %dma_wait3A_226 = arith.constant 0 : i32
    %dma_wait3A_227 = tpu.memref_slice %arg7[%dma_wait3A_221, %dma_wait3A_226] : memref<104x128xi32, #tpu.memory_space<vmem>> -> memref<1x128xi32, #tpu.memory_space<vmem>>
    %dma_wait3A_228 = tpu.memref_squeeze %dma_wait3A_227 : memref<1x128xi32, #tpu.memory_space<vmem>> -> memref<128xi32, #tpu.memory_space<vmem>>
    %dma_wait3A_229 = arith.constant 0 : i32
    %dma_wait3A_230 = arith.constant 0 : i32
    %dma_wait3A_231 = tpu.memref_slice %arg5[%dma_wait3A_229, %dma_wait3A_230] : memref<2097152x32xf32, #tpu.memory_space<hbm>> -> memref<2097152x32xf32, #tpu.memory_space<hbm>>
    tpu.wait_indirect_dma semaphore(%arg28 : memref<!tpu.dma_semaphore, #tpu.memory_space<semaphore_mem>>) src(%dma_wait3A_225 : memref<128x32xf32, #tpu.memory_space<vmem>>) dst(%dma_wait3A_231 : memref<2097152x32xf32, #tpu.memory_space<hbm>>)
    %dma_wait3A_232 = arith.constant 7 : i32
    %dma_wait3A_233 = arith.constant 98 : i32
    %dma_wait3A_234 = arith.constant 0 : i32
    %dma_wait3A_235 = arith.constant 0 : i32
    %dma_wait3A_236 = tpu.memref_slice %arg8[%dma_wait3A_232, %dma_wait3A_234, %dma_wait3A_235] : memref<13x128x32xf32, #tpu.memory_space<vmem>> -> memref<1x128x32xf32, #tpu.memory_space<vmem>>
    %dma_wait3A_237 = tpu.memref_squeeze %dma_wait3A_236 : memref<1x128x32xf32, #tpu.memory_space<vmem>> -> memref<128x32xf32, #tpu.memory_space<vmem>>
    %dma_wait3A_238 = arith.constant 0 : i32
    %dma_wait3A_239 = tpu.memref_slice %arg7[%dma_wait3A_233, %dma_wait3A_238] : memref<104x128xi32, #tpu.memory_space<vmem>> -> memref<1x128xi32, #tpu.memory_space<vmem>>
    %dma_wait3A_240 = tpu.memref_squeeze %dma_wait3A_239 : memref<1x128xi32, #tpu.memory_space<vmem>> -> memref<128xi32, #tpu.memory_space<vmem>>
    %dma_wait3A_241 = arith.constant 0 : i32
    %dma_wait3A_242 = arith.constant 0 : i32
    %dma_wait3A_243 = tpu.memref_slice %arg5[%dma_wait3A_241, %dma_wait3A_242] : memref<2097152x32xf32, #tpu.memory_space<hbm>> -> memref<2097152x32xf32, #tpu.memory_space<hbm>>
    tpu.wait_indirect_dma semaphore(%arg29 : memref<!tpu.dma_semaphore, #tpu.memory_space<semaphore_mem>>) src(%dma_wait3A_237 : memref<128x32xf32, #tpu.memory_space<vmem>>) dst(%dma_wait3A_243 : memref<2097152x32xf32, #tpu.memory_space<hbm>>)
    %dma_wait3A_244 = arith.constant 8 : i32
    %dma_wait3A_245 = arith.constant 99 : i32
    %dma_wait3A_246 = arith.constant 0 : i32
    %dma_wait3A_247 = arith.constant 0 : i32
    %dma_wait3A_248 = tpu.memref_slice %arg8[%dma_wait3A_244, %dma_wait3A_246, %dma_wait3A_247] : memref<13x128x32xf32, #tpu.memory_space<vmem>> -> memref<1x128x32xf32, #tpu.memory_space<vmem>>
    %dma_wait3A_249 = tpu.memref_squeeze %dma_wait3A_248 : memref<1x128x32xf32, #tpu.memory_space<vmem>> -> memref<128x32xf32, #tpu.memory_space<vmem>>
    %dma_wait3A_250 = arith.constant 0 : i32
    %dma_wait3A_251 = tpu.memref_slice %arg7[%dma_wait3A_245, %dma_wait3A_250] : memref<104x128xi32, #tpu.memory_space<vmem>> -> memref<1x128xi32, #tpu.memory_space<vmem>>
    %dma_wait3A_252 = tpu.memref_squeeze %dma_wait3A_251 : memref<1x128xi32, #tpu.memory_space<vmem>> -> memref<128xi32, #tpu.memory_space<vmem>>
    %dma_wait3A_253 = arith.constant 0 : i32
    %dma_wait3A_254 = arith.constant 0 : i32
    %dma_wait3A_255 = tpu.memref_slice %arg5[%dma_wait3A_253, %dma_wait3A_254] : memref<2097152x32xf32, #tpu.memory_space<hbm>> -> memref<2097152x32xf32, #tpu.memory_space<hbm>>
    tpu.wait_indirect_dma semaphore(%arg30 : memref<!tpu.dma_semaphore, #tpu.memory_space<semaphore_mem>>) src(%dma_wait3A_249 : memref<128x32xf32, #tpu.memory_space<vmem>>) dst(%dma_wait3A_255 : memref<2097152x32xf32, #tpu.memory_space<hbm>>)
    %dma_wait3A_256 = arith.constant 9 : i32
    %dma_wait3A_257 = arith.constant 100 : i32
    %dma_wait3A_258 = arith.constant 0 : i32
    %dma_wait3A_259 = arith.constant 0 : i32
    %dma_wait3A_260 = tpu.memref_slice %arg8[%dma_wait3A_256, %dma_wait3A_258, %dma_wait3A_259] : memref<13x128x32xf32, #tpu.memory_space<vmem>> -> memref<1x128x32xf32, #tpu.memory_space<vmem>>
    %dma_wait3A_261 = tpu.memref_squeeze %dma_wait3A_260 : memref<1x128x32xf32, #tpu.memory_space<vmem>> -> memref<128x32xf32, #tpu.memory_space<vmem>>
    %dma_wait3A_262 = arith.constant 0 : i32
    %dma_wait3A_263 = tpu.memref_slice %arg7[%dma_wait3A_257, %dma_wait3A_262] : memref<104x128xi32, #tpu.memory_space<vmem>> -> memref<1x128xi32, #tpu.memory_space<vmem>>
    %dma_wait3A_264 = tpu.memref_squeeze %dma_wait3A_263 : memref<1x128xi32, #tpu.memory_space<vmem>> -> memref<128xi32, #tpu.memory_space<vmem>>
    %dma_wait3A_265 = arith.constant 0 : i32
    %dma_wait3A_266 = arith.constant 0 : i32
    %dma_wait3A_267 = tpu.memref_slice %arg5[%dma_wait3A_265, %dma_wait3A_266] : memref<2097152x32xf32, #tpu.memory_space<hbm>> -> memref<2097152x32xf32, #tpu.memory_space<hbm>>
    tpu.wait_indirect_dma semaphore(%arg31 : memref<!tpu.dma_semaphore, #tpu.memory_space<semaphore_mem>>) src(%dma_wait3A_261 : memref<128x32xf32, #tpu.memory_space<vmem>>) dst(%dma_wait3A_267 : memref<2097152x32xf32, #tpu.memory_space<hbm>>)
    %dma_wait3A_268 = arith.constant 10 : i32
    %dma_wait3A_269 = arith.constant 101 : i32
    %dma_wait3A_270 = arith.constant 0 : i32
    %dma_wait3A_271 = arith.constant 0 : i32
    %dma_wait3A_272 = tpu.memref_slice %arg8[%dma_wait3A_268, %dma_wait3A_270, %dma_wait3A_271] : memref<13x128x32xf32, #tpu.memory_space<vmem>> -> memref<1x128x32xf32, #tpu.memory_space<vmem>>
    %dma_wait3A_273 = tpu.memref_squeeze %dma_wait3A_272 : memref<1x128x32xf32, #tpu.memory_space<vmem>> -> memref<128x32xf32, #tpu.memory_space<vmem>>
    %dma_wait3A_274 = arith.constant 0 : i32
    %dma_wait3A_275 = tpu.memref_slice %arg7[%dma_wait3A_269, %dma_wait3A_274] : memref<104x128xi32, #tpu.memory_space<vmem>> -> memref<1x128xi32, #tpu.memory_space<vmem>>
    %dma_wait3A_276 = tpu.memref_squeeze %dma_wait3A_275 : memref<1x128xi32, #tpu.memory_space<vmem>> -> memref<128xi32, #tpu.memory_space<vmem>>
    %dma_wait3A_277 = arith.constant 0 : i32
    %dma_wait3A_278 = arith.constant 0 : i32
    %dma_wait3A_279 = tpu.memref_slice %arg5[%dma_wait3A_277, %dma_wait3A_278] : memref<2097152x32xf32, #tpu.memory_space<hbm>> -> memref<2097152x32xf32, #tpu.memory_space<hbm>>
    tpu.wait_indirect_dma semaphore(%arg32 : memref<!tpu.dma_semaphore, #tpu.memory_space<semaphore_mem>>) src(%dma_wait3A_273 : memref<128x32xf32, #tpu.memory_space<vmem>>) dst(%dma_wait3A_279 : memref<2097152x32xf32, #tpu.memory_space<hbm>>)
    %dma_wait3A_280 = arith.constant 11 : i32
    %dma_wait3A_281 = arith.constant 102 : i32
    %dma_wait3A_282 = arith.constant 0 : i32
    %dma_wait3A_283 = arith.constant 0 : i32
    %dma_wait3A_284 = tpu.memref_slice %arg8[%dma_wait3A_280, %dma_wait3A_282, %dma_wait3A_283] : memref<13x128x32xf32, #tpu.memory_space<vmem>> -> memref<1x128x32xf32, #tpu.memory_space<vmem>>
    %dma_wait3A_285 = tpu.memref_squeeze %dma_wait3A_284 : memref<1x128x32xf32, #tpu.memory_space<vmem>> -> memref<128x32xf32, #tpu.memory_space<vmem>>
    %dma_wait3A_286 = arith.constant 0 : i32
    %dma_wait3A_287 = tpu.memref_slice %arg7[%dma_wait3A_281, %dma_wait3A_286] : memref<104x128xi32, #tpu.memory_space<vmem>> -> memref<1x128xi32, #tpu.memory_space<vmem>>
    %dma_wait3A_288 = tpu.memref_squeeze %dma_wait3A_287 : memref<1x128xi32, #tpu.memory_space<vmem>> -> memref<128xi32, #tpu.memory_space<vmem>>
    %dma_wait3A_289 = arith.constant 0 : i32
    %dma_wait3A_290 = arith.constant 0 : i32
    %dma_wait3A_291 = tpu.memref_slice %arg5[%dma_wait3A_289, %dma_wait3A_290] : memref<2097152x32xf32, #tpu.memory_space<hbm>> -> memref<2097152x32xf32, #tpu.memory_space<hbm>>
    tpu.wait_indirect_dma semaphore(%arg33 : memref<!tpu.dma_semaphore, #tpu.memory_space<semaphore_mem>>) src(%dma_wait3A_285 : memref<128x32xf32, #tpu.memory_space<vmem>>) dst(%dma_wait3A_291 : memref<2097152x32xf32, #tpu.memory_space<hbm>>)
    %dma_wait3A_292 = arith.constant 12 : i32
    %dma_wait3A_293 = arith.constant 103 : i32
    %dma_wait3A_294 = arith.constant 0 : i32
    %dma_wait3A_295 = arith.constant 0 : i32
    %dma_wait3A_296 = tpu.memref_slice %arg8[%dma_wait3A_292, %dma_wait3A_294, %dma_wait3A_295] : memref<13x128x32xf32, #tpu.memory_space<vmem>> -> memref<1x128x32xf32, #tpu.memory_space<vmem>>
    %dma_wait3A_297 = tpu.memref_squeeze %dma_wait3A_296 : memref<1x128x32xf32, #tpu.memory_space<vmem>> -> memref<128x32xf32, #tpu.memory_space<vmem>>
    %dma_wait3A_298 = arith.constant 0 : i32
    %dma_wait3A_299 = tpu.memref_slice %arg7[%dma_wait3A_293, %dma_wait3A_298] : memref<104x128xi32, #tpu.memory_space<vmem>> -> memref<1x128xi32, #tpu.memory_space<vmem>>
    %dma_wait3A_300 = tpu.memref_squeeze %dma_wait3A_299 : memref<1x128xi32, #tpu.memory_space<vmem>> -> memref<128xi32, #tpu.memory_space<vmem>>
    %dma_wait3A_301 = arith.constant 0 : i32
    %dma_wait3A_302 = arith.constant 0 : i32
    %dma_wait3A_303 = tpu.memref_slice %arg5[%dma_wait3A_301, %dma_wait3A_302] : memref<2097152x32xf32, #tpu.memory_space<hbm>> -> memref<2097152x32xf32, #tpu.memory_space<hbm>>
    tpu.wait_indirect_dma semaphore(%arg34 : memref<!tpu.dma_semaphore, #tpu.memory_space<semaphore_mem>>) src(%dma_wait3A_297 : memref<128x32xf32, #tpu.memory_space<vmem>>) dst(%dma_wait3A_303 : memref<2097152x32xf32, #tpu.memory_space<hbm>>)
    return
  }
}

</mosaic_0001>

<sc_bundles>
// kernel: kernel.3.cloned.1.call-start
scs
__scs_entry_jumppad:
0x0: {  	(pc) =	sbr.rel $0x88, $3  }
0x1: {  	(tag) =	ssettag $0x0;
	lr =	simm.s32 $0x1  }
0x2: {  	[smem:$0x3F9F] =	sst lr;
	_ =	strace $0xD0000000  }
0x3: {  	_ = 	snop  }
0x4: {  	_ = 	snop  }
0x5: {  	_ = 	snop  }
0x6: {  	_ = 	snop  }
0x7: {  	_ = 	snop  }
__scs_overlays_trampoline_lowered:
0x8: {  	[smem:$0x3FAE] =	sst s0  }
0x9: {  	[smem:$0x3FAF] =	sst s1  }
0xa: {  	[smem:$0x3FB0] =	sst s2  }
0xb: {  	[smem:$0x3FB1] =	sst s3  }
0xc: {  	[smem:$0x3FB2] =	sst s4  }
0xd: {  	[smem:$0x3FB3] =	sst s5  }
0xe: {  	[smem:$0x3FB4] =	sst s6  }
0xf: {  	[smem:$0x3FB5] =	sst s7  }
0x10: {  	[smem:$0x3FB6] =	sst s8  }
0x11: {  	[smem:$0x3FB7] =	sst s9;
	s0 =	simm.s32 @!p0 $0x0  }
0x12: {  	s1 =	sld [smem:$0x3F9D];
	s0 =	simm.s32 @p0 $0x1  }
0x13: {  	[smem:$0x3FB8] =	sst s0;
	s0 =	simm.s32 @!p1 $0x0  }
0x14: {  	s2 =	sld [smem:$0x3F9C];
	s0 =	simm.s32 @p1 $0x1  }
0x15: {  	[smem:$0x3FB9] =	sst s0;
	s0 =	simm.s32 @!p2 $0x0  }
0x16: {  	s3 =	sld [smem:$0x3FDB];
	s0 =	simm.s32 @p2 $0x1  }
0x17: {  	s4 =	simm.s32 $0x1BF5;
	[smem:$0x3FBB] =	sst s0  }
0x18: {  	s0 =	sld [smem:$0x3F9E];
	_ =	swait.ge [sflag:s4], $0x0  }
0x19: {  	s7 =	sld [smem:$0x3F9F]  }
0x1a: {  	s8 =	sadd.s32 $0xFFFFE003, lr  }
0x1b: {  	s9 =	sadd.s32 $0xFFFFFEF7, lr;
	s5 =	simm.s32 $0xFFFFFFFF;
	p2 =	slt.u32 s8, $0xFFFFF086  }
0x1c: {  	p1 =	slt.u32 s9, $0xF7A;
	s5 =	simm.s32 @!p2 $0x0  }
0x1d: {  	s5 =	simm.s32 @p1 $0x1;
	p0 =	seq.s32 s7, s2  }
0x1e: {  	s7 =	smul.u32 @!p0 $0xF7A, s2;
	p2 =	seq.s32 @!p0 s5, $0x0  }
0x1f: {  	s9 =	smul.u32 $0xF7A, s1;
	s8 =	simm.s32 @!p0 $0x1BF5;
	p2 =	por !p2, p0  }
0x20: {  	[sflag:s8] =	ssyncset.s32 @!p0 $0xFFFFF086;
	s6 =	sadd.s32 @!p0 s3, s7;
	s7 =	simm.s32 @!p0 $0x108  }
0x21: {  	s3 =	sadd.s32 s3, s9;
	s6 =	sadd.s32 @!p0 $0x88, s6;
	s7 =	simm.s32 @p2 $0x1082  }
0x22: {  	[simem:s7], [sflag:s8] =	dma.local @!p0 [hbm:s6], $0xF7A  }
0x23: {  	s9 =	sor.u32 $0xD0000000, s2;
	s6 =	simm.s32 $0x108;
	_ =	swait.ge @!p0 [sflag:s8], $0x0  }
0x24: {  	s3 =	sadd.s32 $0x88, s3;
	s6 =	simm.s32 @!p1 $0x1082;
	[sflag:s4] =	ssyncset.s32 $0xFFFFF086  }
0x25: {  	[simem:s6], [sflag:s4] =	dma.local [hbm:s3], $0xF7A  }
0x26: {  	[smem:$0x3F9F] =	sst s1;
	(tag) =	ssettag s2;
	_ =	strace s9  }
0x27: {  	s1 =	sld [smem:$0x3FAF]  }
0x28: {  	s2 =	sld [smem:$0x3FB0]  }
0x29: {  	s4 =	sld [smem:$0x3FB2]  }
0x2a: {  	p0 =	seq.s32 s5, $0x0;
	s5 =	sld [smem:$0x3FB3]  }
0x2b: {  	s6 =	sld [smem:$0x3FB4]  }
0x2c: {  	s7 =	sld [smem:$0x3FB5]  }
0x2d: {  	s3 =	simm.s32 $0x108;
	s8 =	sld [smem:$0x3FB6]  }
0x2e: {  	s3 =	simm.s32 @!p0 $0x1082;
	s9 =	sld [smem:$0x3FB7]  }
0x2f: {  	lr =	sadd.s32 s0, s3;
	s0 =	sld [smem:$0x3FAE]  }
0x30: {  	s3 =	sld [smem:$0x3FB1]  }
0x31: {  	[smem:$0x3FBA] =	sst s10  }
0x32: {  	s10 =	sld [smem:$0x3FB8];
	_ =	sdelay $0x3  }
0x33: {  	p0 =	seq.s32 s10, $0x1;
	s10 =	sld [smem:$0x3FBA];
	_ =	sdelay $0x3  }
0x34: {  	[smem:$0x3FBA] =	sst s10  }
0x35: {  	s10 =	sld [smem:$0x3FB9];
	_ =	sdelay $0x3  }
0x36: {  	p1 =	seq.s32 s10, $0x1;
	s10 =	sld [smem:$0x3FBA];
	_ =	sdelay $0x3  }
0x37: {  	[smem:$0x3FBA] =	sst s10  }
0x38: {  	s10 =	sld [smem:$0x3FBB]  }
0x39: {  	_ = 	snop;
	(pc) =	sbr.ind lr, $3  }
0x3a: {  	_ = 	snop  }
0x3b: {  	_ = 	snop  }
0x3c: {  	p2 =	seq.s32 s10, $0x1;
	s10 =	sld [smem:$0x3FBA]  }
0x3d: {  	_ =	shalt  }
0x3e: {  	_ =	shalt  }
0x3f: {  	_ =	shalt  }
0x40: {  	_ =	shalt  }
0x41: {  	_ =	shalt  }
0x42: {  	_ =	shalt  }
0x43: {  	_ =	shalt  }
0x44: {  	_ =	shalt  }
0x45: {  	_ =	shalt  }
0x46: {  	_ =	shalt  }
0x47: {  	_ =	shalt  }
0x48: {  	_ =	shalt  }
0x49: {  	_ =	shalt  }
0x4a: {  	_ =	shalt  }
0x4b: {  	_ =	shalt  }
0x4c: {  	_ =	shalt  }
0x4d: {  	_ =	shalt  }
0x4e: {  	_ =	shalt  }
0x4f: {  	_ =	shalt  }
0x50: {  	_ =	shalt  }
0x51: {  	_ =	shalt  }
0x52: {  	_ =	shalt  }
0x53: {  	_ =	shalt  }
0x54: {  	_ =	shalt  }
0x55: {  	_ =	shalt  }
0x56: {  	_ =	shalt  }
0x57: {  	_ =	shalt  }
0x58: {  	_ =	shalt  }
0x59: {  	_ =	shalt  }
0x5a: {  	_ =	shalt  }
0x5b: {  	_ =	shalt  }
0x5c: {  	_ =	shalt  }
0x5d: {  	_ =	shalt  }
0x5e: {  	_ =	shalt  }
0x5f: {  	_ =	shalt  }
0x60: {  	_ =	shalt  }
0x61: {  	_ =	shalt  }
0x62: {  	_ =	shalt  }
0x63: {  	_ =	shalt  }
0x64: {  	_ =	shalt  }
0x65: {  	_ =	shalt  }
0x66: {  	_ =	shalt  }
0x67: {  	_ =	shalt  }
0x68: {  	_ =	shalt  }
0x69: {  	_ =	shalt  }
0x6a: {  	_ =	shalt  }
0x6b: {  	_ =	shalt  }
0x6c: {  	_ =	shalt  }
0x6d: {  	_ =	shalt  }
0x6e: {  	_ =	shalt  }
0x6f: {  	_ =	shalt  }
0x70: {  	_ =	shalt  }
0x71: {  	_ =	shalt  }
0x72: {  	_ =	shalt  }
0x73: {  	_ =	shalt  }
0x74: {  	_ =	shalt  }
0x75: {  	_ =	shalt  }
0x76: {  	_ =	shalt  }
0x77: {  	_ =	shalt  }
0x78: {  	_ =	shalt  }
0x79: {  	_ =	shalt  }
0x7a: {  	_ =	shalt  }
0x7b: {  	_ =	shalt  }
0x7c: {  	_ =	shalt  }
0x7d: {  	_ =	shalt  }
0x7e: {  	_ =	shalt  }
0x7f: {  	_ =	shalt  }
0x80: {  	_ =	shalt  }
0x81: {  	_ =	shalt  }
0x82: {  	_ =	shalt  }
0x83: {  	_ =	shalt  }
0x84: {  	_ =	shalt  }
0x85: {  	_ =	shalt  }
0x86: {  	_ =	shalt  }
0x87: {  	_ =	shalt  }
.Lfunc_end0:
.L_simem_size_0:
called_computation.1_lowered:
.L_overlay_start_0:
0x88: {  	s2 =	sld [smem:$0x3FD9]  }
0x89: {  	s3 =	sld [smem:$0x3FFE];
	_ =	sdelay $0x1  }
0x8a: {  	s1 =	srdreg.scid  }
0x8b: {  	s0 =	sand.u32 $0x1, s1  }
0x8c: {  	s17 =	sshll.u32 s0, $0xA;
	s2 =	sadd.s32 s3, s2  }
0x8d: {  	s2 =	sadd.s32 s2, s17  }
0x8e: {  	[smem:$0x3FC6] =	sst s2  }
0x8f: {  	_ = 	snop  }
0x90: {  	s2 =	sld [smem:$0x3FD0];
	(tm) =	ssettm $0x1  }
0x91: {  	s18 =	sld [smem:$0x3FFB];
	_ =	sdelay $0x3  }
0x92: {  	_ =	strace s18  }
0x93: {  	s3 =	sld [smem:$0x3FFC];
	_ =	sdelay $0x3  }
0x94: {  	_ =	strace s3  }
0x95: {  	s3 =	sld [smem:$0x3FFD];
	_ =	sdelay $0x3  }
0x96: {  	_ =	strace s3  }
0x97: {  	_ =	strace $0x8FFFFFFF  }
0x98: {  	s19 =	sld [smem:$0x3FDB];
	_ =	sdelay $0x1  }
0x99: {  	s4 =	simm.s32 $_scs_section_size  }
0x9a: {  	s5 =	simm.s32 $_size__tile_overlayer_lowered;
	s6 =	simm.s32 $_tile_overlayer_lowered  }
0x9b: {  	s22 =	simm.s32 $0x1BFF;
	s21 =	sshll.u32 s6, $0x1;
	s3 =	sadd.s32 s4, s19  }
0x9c: {  	s7 =	simm.s32 $0x0;
	s20 =	sshll.u32 s5, $0x1;
	s5 =	sadd.s32 s21, s3  }
0x9d: {  	[timem:s7], [sflag:s22] =	dma.local [hbm:s5], s20  }
0x9e: {  	_ =	swait.ge [sflag:s22], s20  }
0x9f: {  	s4 =	ssub.s32 $0x0, s20;
	[sflag:s22] =	ssyncset.done $0x0  }
0xa0: {  	[sflag:s22] =	ssyncadd.s32 s4;
	_ =	sdelay $0x1  }
0xa1: {  	s23 =	simm.s32 $0x1B8B  }
0xa2: {  	_ =	swait.ge [sflag:s23], $0x1  }
0xa3: {  	[sflag:s23] =	ssyncset.done $0x0  }
0xa4: {  	s25 =	simm.s32 $0x1B8E;
	s24 =	sld [smem:$0x3FFE];
	[sflag:s23] =	ssyncadd.s32 $0xFFFFFFFF  }
0xa5: {  	s26 =	simm.s32 $execute0_lowered;
	[smem:$0x3FD2] =	sst s25  }
0xa6: {  	s5 =	sshll.u32 s26, $0x1;
	_ =	strace $0x80000046;
	[dreg:$0x1] =	wrdreg $0xFFFFFFFF  }
0xa7: {  	s28 =	simm.s32 $_size_execute0_lowered;
	s3 =	sadd.s32 s3, s5;
	[dreg:$0x0] =	wrdreg $0x0  }
0xa8: {  	s5 =	sshll.u32 s28, $0x1;
	[dreg:$0x2] =	wrdreg s3  }
0xa9: {  	[dreg:$0x3] =	wrdreg s5  }
0xaa: {  	[dreg:$0x4] =	wrdreg $0xC0  }
0xab: {  	_ =	task [dreg:s7], $0x5FFFF  }
0xac: {  	[dreg:$0x1] =	wrdreg $0xFFFFFFFF  }
0xad: {  	[dreg:$0x0] =	wrdreg $0x60  }
0xae: {  	[dreg:$0x2] =	wrdreg s2  }
0xaf: {  	[dreg:$0x3] =	wrdreg s24  }
0xb0: {  	[dreg:$0x4] =	wrdreg $0x9  }
0xb1: {  	_ =	task.clear_ibuf [dreg:s7], $0x5FFFF;
	_ =	strace $0x90000046  }
0xb2: {  	s29 =	simm.s32 $0x9;
	_ =	strace $0x80000048  }
0xb3: {  	_ =	swait.ge [sflag:s29], $0x1  }
0xb4: {  	[sflag:s29] =	ssyncadd.s32 $0xFFFFFFFF  }
0xb5: {  	_ =	strace $0x90000048  }
0xb6: {  	_ =	sfence  }
0xb7: {  	s30 =	sld [smem:$0x0];
	_ =	sdelay $0x2  }
0xb8: {  	s31 =	sshll.u32 s1, $0xD;
	s1 =	sshrl.u32 s1, $0x2  }
0xb9: {  	s3 =	sand.u32 $0x4000, s31;
	s1 =	sadd.s32 s1, s30  }
0xba: {  	s0 =	sor.u32 s3, s0;
	s1 =	sshll.u32 s1, $0x11  }
0xbb: {  	s0 =	sor.u32 s1, s0  }
0xbc: {  	s0 =	sadd.s32 $0x8F2B, s0  }
0xbd: {  	[sflag:s0] =	ssyncadd.remote.s32 $0x1  }
0xbe: {  	_ =	sfence.sel $0xFFFF  }
0xbf: {  	[dreg:$0x0] =	wrdreg $0xFFFFFFFF;
	(pc) =	sbr.abs _section_cstart, $3  }
0xc0: {  	[dreg:$0x1] =	wrdreg $0xFFFFFFFF  }
0xc1: {  	_ =	task.clear_ibuf [dreg:s7], $0x2FFFF;
	_ =	strace $0x9FFFFFFF  }
0xc2: {  	(tm) =	ssettm $0x7FFFFFFF  }
0xc3: {  	_ =	shalt  }
tec
execute0_lowered:
.L_overlay_start_1:
0x0: {  	(tag) =	ssettag $0x1  }
0x1: {  	s0 =	srdreg.scid  }
0x2: {  	s2 =	stileid.u32;
	s1 =	rddreg [dreg:$0x0]  }
0x3: {  	s4 =	rddreg [dreg:$0x1];
	s3 =	simm.s32 $0x0;
	s10 =	simm.s32 $0x80  }
0x4: {  	s11 =	simm.s32 $0x6800;
	s12 =	simm.s32 $0x7800;
	s16 =	simm.s32 $0x9800  }
0x5: {  	s20 =	simm.s32 $0xB800;
	s24 =	simm.s32 $0xD800;
	s29 =	simm.s32 $0xF800  }
0x6: {  	s31 =	simm.s32 $0x10800;
	s9 =	simm.s32 $0x1;
	s13 =	simm.s32 $0x12800  }
0x7: {  	s14 =	simm.s32 $0x2;
	s15 =	simm.s32 $0x4;
	s17 =	simm.s32 $0x6  }
0x8: {  	s18 =	simm.s32 $0x8;
	s19 =	simm.s32 $0xA;
	s21 =	simm.s32 $0xC  }
0x9: {  	s22 =	simm.s32 $0xD;
	s0 =	sand.u32 $0x1, s0;
	s2 =	sshll.u32 s2, $0x1  }
0xa: {  	s23 =	simm.s32 $0x18;
	s25 =	simm.s32 $0x19;
	s2 =	sor.u32 s0, s2  }
0xb: {  	[smem:$0x7FF] =	sst s3;
	s0 =	ssub.s32 $0x2, s0;
	s2 =	smul.u32 $0x680, s2  }
.Ltmp0:
0xc: {  	s3 =	sadd.s32 $0xF43000, s4;
	s6 =	sshrl.u32 s0, $0x1;
	(pc) =	sbr.rel .LBB2_1-.Ltmp0, $4  }
0xd: {  	_ =	strace $0x80000047;
	s0 =	ssub.s32 s0, s6;
	s1 =	sadd.s32 s1, s2  }
0xe: {  	s5 =	sadd.s32 s2, s4;
	s0 =	smax.u32 s0, $0x1;
	[dreg:$0x3] =	wrdreg s1  }
0xf: {  	s4 =	sadd.s32 $0xDC00, s4;
	s30 =	sadd.s32 $0xC00, s5;
	[dreg:$0x5] =	wrdreg s0  }
0x10: {  	s0 =	simm.s32 $0x11800;
	s5 =	simm.s32 $0x0;
	[dreg:$0x4] =	wrdreg s30  }
.LBB2_4:
0x11: {  	_ =	swait.ge [sflag:s22], $0x1000  }
0x12: {  	[sflag:s22] =	ssyncset.done $0x0  }
0x13: {  	s1 =	simm.s32 $0xE;
	[sflag:s22] =	ssyncadd.s32 $0xFFFFF000  }
0x14: {  	[hbm4b:s4+s10] =	stream.indirect.scatter [tilespmem:s13], [sflag:$0x1A], $0x20, s2, s10, $0xb8;
	[tilespmem:$0x13800] =	vst v63  }
0x15: {  	_ =	swait.ge [sflag:s1], $0x1000  }
0x16: {  	[sflag:s1] =	ssyncset.done $0x0  }
0x17: {  	s26 =	simm.s32 $0xF;
	[sflag:s1] =	ssyncadd.s32 $0xFFFFF000  }
0x18: {  	_ =	swait.ge [sflag:s26], $0x1000  }
0x19: {  	[sflag:s26] =	ssyncset.done $0x0  }
0x1a: {  	s28 =	simm.s32 $0x10;
	[sflag:s26] =	ssyncadd.s32 $0xFFFFF000  }
0x1b: {  	_ =	swait.ge [sflag:s28], $0x1000  }
0x1c: {  	[sflag:s28] =	ssyncset.done $0x0  }
0x1d: {  	s30 =	simm.s32 $0x11;
	[sflag:s28] =	ssyncadd.s32 $0xFFFFF000  }
0x1e: {  	_ =	swait.ge [sflag:s30], $0x1000  }
0x1f: {  	[sflag:s30] =	ssyncset.done $0x0  }
0x20: {  	s2 =	simm.s32 $0x12;
	[sflag:s30] =	ssyncadd.s32 $0xFFFFF000  }
0x21: {  	_ =	swait.ge [sflag:s2], $0x1000  }
0x22: {  	[sflag:s2] =	ssyncset.done $0x0  }
0x23: {  	s5 =	simm.s32 $0x13;
	[sflag:s2] =	ssyncadd.s32 $0xFFFFF000  }
0x24: {  	_ =	swait.ge [sflag:s5], $0x1000  }
0x25: {  	[sflag:s5] =	ssyncset.done $0x0  }
0x26: {  	s6 =	simm.s32 $0x14;
	[sflag:s5] =	ssyncadd.s32 $0xFFFFF000  }
0x27: {  	_ =	swait.ge [sflag:s6], $0x1000  }
0x28: {  	[sflag:s6] =	ssyncset.done $0x0  }
0x29: {  	s7 =	simm.s32 $0x15;
	[sflag:s6] =	ssyncadd.s32 $0xFFFFF000  }
0x2a: {  	_ =	swait.ge [sflag:s7], $0x1000  }
0x2b: {  	[sflag:s7] =	ssyncset.done $0x0  }
0x2c: {  	s8 =	simm.s32 $0x16;
	[sflag:s7] =	ssyncadd.s32 $0xFFFFF000  }
0x2d: {  	_ =	swait.ge [sflag:s8], $0x1000  }
0x2e: {  	[sflag:s8] =	ssyncset.done $0x0  }
0x2f: {  	s26 =	simm.s32 $0x17;
	[sflag:s8] =	ssyncadd.s32 $0xFFFFF000  }
0x30: {  	_ =	swait.ge [sflag:s26], $0x1000  }
0x31: {  	[sflag:s26] =	ssyncset.done $0x0  }
0x32: {  	[sflag:s26] =	ssyncadd.s32 $0xFFFFF000  }
0x33: {  	_ =	swait.ge [sflag:s23], $0x1000  }
0x34: {  	[sflag:s23] =	ssyncset.done $0x0  }
0x35: {  	[sflag:s23] =	ssyncadd.s32 $0xFFFFF000  }
0x36: {  	_ =	swait.ge [sflag:s25], $0x1000  }
0x37: {  	[sflag:s25] =	ssyncset.done $0x0  }
0x38: {  	s28 =	simm.s32 $0x1A;
	[sflag:s25] =	ssyncadd.s32 $0xFFFFF000  }
0x39: {  	_ =	swait.ge [sflag:s28], $0x1000  }
0x3a: {  	s5 =	rddreg [dreg:$0x6]  }
0x3b: {  	s30 =	rddreg [dreg:$0x5];
	s5 =	sadd.s32 $0x1, s5  }
0x3c: {  	p0 =	sne.s32 s5, s30  }
.Ltmp1:
0x3d: {  	_ = 	snop;
	(pc) =	sbr.rel @!p0 .LBB2_5-.Ltmp1, $3  }
0x3e: {  	_ =	sdelay $0x1  }
0x3f: {  	[sflag:s28] =	ssyncset.done $0x0  }
0x40: {  	[sflag:s28] =	ssyncadd.s32 $0xFFFFF000  }
.LBB2_1:
0x41: {  	[dreg:$0x6] =	wrdreg s5  }
0x42: {  	s1 =	simm.s32 $0x0;
	s2 =	rddreg [dreg:$0x3];
	s7 =	simm.s32 $0x1B  }
0x43: {  	[tilespmem:s1], [sflag:$0x1B] =	stream.linear.gather [hbm4b:s2+s1], $0x3400, $0x38;
	[tilespmem:$0x13800] =	vst v63  }
0x44: {  	_ =	swait.ge [sflag:s7], $0x3400  }
0x45: {  	[sflag:s7] =	ssyncset.done $0x0  }
0x46: {  	s6 =	simm.s32 $0x3400;
	s8 =	rddreg [dreg:$0x4];
	[sflag:s7] =	ssyncadd.s32 $0xFFFFCC00  }
0x47: {  	[tilespmem:s6], [sflag:$0x1B] =	stream.linear.gather [hbm4b:s8+s1], $0x3400, $0x38;
	[tilespmem:$0x13800] =	vst v63  }
0x48: {  	_ =	swait.ge [sflag:s7], $0x3400  }
0x49: {  	[sflag:s7] =	ssyncset.done $0x0  }
0x4a: {  	[sflag:s7] =	ssyncadd.s32 $0xFFFFCC00  }
0x4b: {  	[tilespmem:s11], [sflag:$0x1] =	stream.indirect.gather [hbm4b:s3+s10], $0x20, s1, s10, $0xb8;
	[tilespmem:$0x13800] =	vst v63  }
0x4c: {  	_ = 	snop  }
0x4d: {  	[tilespmem:s12], [sflag:$0x2] =	stream.indirect.gather [hbm4b:s3+s10], $0x20, s10, s10, $0xb8;
	[tilespmem:$0x13800] =	vst v63  }
0x4e: {  	s26 =	simm.s32 $0x100;
	s28 =	simm.s32 $0x8800  }
0x4f: {  	[tilespmem:s28], [sflag:$0x3] =	stream.indirect.gather [hbm4b:s3+s10], $0x20, s26, s10, $0xb8;
	[tilespmem:$0x13800] =	vst v63  }
0x50: {  	s5 =	simm.s32 $0x180  }
0x51: {  	[tilespmem:s16], [sflag:$0x4] =	stream.indirect.gather [hbm4b:s3+s10], $0x20, s5, s10, $0xb8;
	[tilespmem:$0x13800] =	vst v63  }
0x52: {  	s6 =	simm.s32 $0x200;
	s7 =	simm.s32 $0xA800  }
0x53: {  	[tilespmem:s7], [sflag:$0x5] =	stream.indirect.gather [hbm4b:s3+s10], $0x20, s6, s10, $0xb8;
	[tilespmem:$0x13800] =	vst v63  }
0x54: {  	s8 =	simm.s32 $0x280  }
0x55: {  	[tilespmem:s20], [sflag:$0x6] =	stream.indirect.gather [hbm4b:s3+s10], $0x20, s8, s10, $0xb8;
	[tilespmem:$0x13800] =	vst v63  }
0x56: {  	s26 =	simm.s32 $0x300;
	s28 =	simm.s32 $0xC800  }
0x57: {  	[tilespmem:s28], [sflag:$0x7] =	stream.indirect.gather [hbm4b:s3+s10], $0x20, s26, s10, $0xb8;
	[tilespmem:$0x13800] =	vst v63  }
0x58: {  	s5 =	simm.s32 $0x380  }
0x59: {  	[tilespmem:s24], [sflag:$0x8] =	stream.indirect.gather [hbm4b:s3+s10], $0x20, s5, s10, $0xb8;
	[tilespmem:$0x13800] =	vst v63  }
0x5a: {  	s6 =	simm.s32 $0x400;
	s7 =	simm.s32 $0xE800  }
0x5b: {  	[tilespmem:s7], [sflag:$0x9] =	stream.indirect.gather [hbm4b:s3+s10], $0x20, s6, s10, $0xb8;
	[tilespmem:$0x13800] =	vst v63  }
0x5c: {  	s8 =	simm.s32 $0x480  }
0x5d: {  	[tilespmem:s29], [sflag:$0xA] =	stream.indirect.gather [hbm4b:s3+s10], $0x20, s8, s10, $0xb8;
	[tilespmem:$0x13800] =	vst v63  }
0x5e: {  	s26 =	simm.s32 $0x500  }
0x5f: {  	[tilespmem:s31], [sflag:$0xB] =	stream.indirect.gather [hbm4b:s3+s10], $0x20, s26, s10, $0xb8;
	[tilespmem:$0x13800] =	vst v63  }
0x60: {  	s30 =	simm.s32 $0x0;
	s28 =	simm.s32 $0x580  }
0x61: {  	[tilespmem:s0], [sflag:$0xC] =	stream.indirect.gather [hbm4b:s3+s10], $0x20, s28, s10, $0xb8;
	[tilespmem:$0x13800] =	vst v63  }
.LBB2_2:
0x62: {  	_ =	swait.ge [sflag:s9], $0x1000  }
0x63: {  	s1 =	sshra.s32 s30, $0x2;
	[sflag:s9] =	ssyncset.done $0x0  }
0x64: {  	p0 =	seq.s32 s30, $0x0;
	s2 =	sadd.s32 $0x3400, s1;
	[sflag:s9] =	ssyncadd.s32 $0xFFFFF000  }
0x65: {  	[hbm4b:s4+s10] =	stream.indirect.scatter [tilespmem:s11], [sflag:$0xE], $0x20, s2, s10, $0xb8;
	[tilespmem:$0x13800] =	vst v63  }
0x66: {  	s2 =	simm.s32 @!p0 $0x1A  }
0x67: {  	_ =	swait.ge @!p0 [sflag:s2], $0x1000  }
0x68: {  	[sflag:s2] =	ssyncset.done @!p0 $0x0  }
0x69: {  	s8 =	sadd.s32 $0x600, s1;
	[sflag:s2] =	ssyncadd.s32 @!p0 $0xFFFFF000  }
0x6a: {  	[tilespmem:s13], [sflag:$0xD] =	stream.indirect.gather [hbm4b:s3+s10], $0x20, s8, s10, $0xb8;
	[tilespmem:$0x13800] =	vst v63  }
0x6b: {  	_ =	swait.ge [sflag:s14], $0x1000  }
0x6c: {  	p0 =	seq.s32 s30, $0xB600;
	[sflag:s14] =	ssyncset.done $0x0  }
0x6d: {  	s26 =	sadd.s32 $0x3480, s1;
	s2 =	simm.s32 @p0 $0x3;
	[sflag:s14] =	ssyncadd.s32 $0xFFFFF000  }
0x6e: {  	[hbm4b:s4+s10] =	stream.indirect.scatter [tilespmem:s12], [sflag:$0xF], $0x20, s26, s10, $0xb8;
	[tilespmem:$0x13800] =	vst v63  }
0x6f: {  	_ =	swait.ge @p0 [sflag:s2], $0x1000  }
0x70: {  	s7 =	sshra.s32 @p0 s30, $0x2;
	s6 =	simm.s32 @p0 $0x8800;
	[sflag:s2] =	ssyncset.done @p0 $0x0  }
0x71: {  	s5 =	sadd.s32 @p0 $0x3500, s7;
	[sflag:s2] =	ssyncadd.s32 @p0 $0xFFFFF000;
	s2 =	simm.s32 @p0 $0x80  }
0x72: {  	[hbm4b:s4+s2] =	stream.indirect.scatter @p0 [tilespmem:s6], [sflag:$0x10], $0x20, s5, s2, $0xb8;
	[tilespmem:$0x13800] =	vst v63  }
0x73: {  	s5 =	simm.s32 @!p0 $0xE  }
0x74: {  	_ =	swait.ge @!p0 [sflag:s5], $0x1000  }
0x75: {  	[sflag:s5] =	ssyncset.done @!p0 $0x0  }
0x76: {  	[sflag:s5] =	ssyncadd.s32 @!p0 $0xFFFFF000;
	s5 =	sshra.s32 @!p0 s30, $0x2  }
0x77: {  	s8 =	simm.s32 @!p0 $0x6800;
	s6 =	simm.s32 @!p0 $0x80;
	s26 =	sadd.s32 @!p0 $0x680, s5  }
0x78: {  	[tilespmem:s8], [sflag:$0x1] =	stream.indirect.gather @!p0 [hbm4b:s3+s6], $0x20, s26, s6, $0xb8;
	[tilespmem:$0x13800] =	vst v63  }
0x79: {  	s8 =	simm.s32 @!p0 $0x3  }
0x7a: {  	_ =	swait.ge @!p0 [sflag:s8], $0x1000  }
0x7b: {  	[sflag:s8] =	ssyncset.done @!p0 $0x0  }
0x7c: {  	s26 =	simm.s32 @!p0 $0x8800;
	[sflag:s8] =	ssyncadd.s32 @!p0 $0xFFFFF000;
	s8 =	sadd.s32 @!p0 $0x3500, s5  }
0x7d: {  	[hbm4b:s4+s6] =	stream.indirect.scatter @!p0 [tilespmem:s26], [sflag:$0x10], $0x20, s8, s6, $0xb8;
	[tilespmem:$0x13800] =	vst v63  }
0x7e: {  	s8 =	simm.s32 @!p0 $0xF  }
0x7f: {  	_ =	swait.ge @!p0 [sflag:s8], $0x1000  }
0x80: {  	[sflag:s8] =	ssyncset.done @!p0 $0x0  }
0x81: {  	s28 =	simm.s32 @!p0 $0x7800;
	[sflag:s8] =	ssyncadd.s32 @!p0 $0xFFFFF000;
	s8 =	sadd.s32 @!p0 $0x700, s5  }
0x82: {  	[tilespmem:s28], [sflag:$0x2] =	stream.indirect.gather @!p0 [hbm4b:s3+s6], $0x20, s8, s6, $0xb8;
	[tilespmem:$0x13800] =	vst v63  }
0x83: {  	_ =	swait.ge [sflag:s15], $0x1000  }
0x84: {  	[sflag:s15] =	ssyncset.done $0x0  }
0x85: {  	s28 =	sadd.s32 $0x3580, s1;
	s8 =	simm.s32 @p0 $0x5;
	[sflag:s15] =	ssyncadd.s32 $0xFFFFF000  }
0x86: {  	[hbm4b:s4+s10] =	stream.indirect.scatter [tilespmem:s16], [sflag:$0x11], $0x20, s28, s10, $0xb8;
	[tilespmem:$0x13800] =	vst v63  }
0x87: {  	_ =	swait.ge @p0 [sflag:s8], $0x1000  }
0x88: {  	[sflag:s8] =	ssyncset.done @p0 $0x0  }
0x89: {  	s28 =	simm.s32 @p0 $0xA800;
	[sflag:s8] =	ssyncadd.s32 @p0 $0xFFFFF000;
	s8 =	sadd.s32 @p0 $0x3600, s7  }
0x8a: {  	[hbm4b:s4+s2] =	stream.indirect.scatter @p0 [tilespmem:s28], [sflag:$0x12], $0x20, s8, s2, $0xb8;
	[tilespmem:$0x13800] =	vst v63  }
0x8b: {  	s8 =	simm.s32 @!p0 $0x10  }
0x8c: {  	_ =	swait.ge @!p0 [sflag:s8], $0x1000  }
0x8d: {  	[sflag:s8] =	ssyncset.done @!p0 $0x0  }
0x8e: {  	[sflag:s8] =	ssyncadd.s32 @!p0 $0xFFFFF000;
	s8 =	sadd.s32 @!p0 $0x780, s5  }
0x8f: {  	[tilespmem:s26], [sflag:$0x3] =	stream.indirect.gather @!p0 [hbm4b:s3+s6], $0x20, s8, s6, $0xb8;
	[tilespmem:$0x13800] =	vst v63  }
0x90: {  	s8 =	simm.s32 @!p0 $0x5  }
0x91: {  	_ =	swait.ge @!p0 [sflag:s8], $0x1000  }
0x92: {  	[sflag:s8] =	ssyncset.done @!p0 $0x0  }
0x93: {  	s26 =	simm.s32 @!p0 $0xA800;
	[sflag:s8] =	ssyncadd.s32 @!p0 $0xFFFFF000;
	s8 =	sadd.s32 @!p0 $0x3600, s5  }
0x94: {  	[hbm4b:s4+s6] =	stream.indirect.scatter @!p0 [tilespmem:s26], [sflag:$0x12], $0x20, s8, s6, $0xb8;
	[tilespmem:$0x13800] =	vst v63  }
0x95: {  	s8 =	simm.s32 @!p0 $0x11  }
0x96: {  	_ =	swait.ge @!p0 [sflag:s8], $0x1000  }
0x97: {  	[sflag:s8] =	ssyncset.done @!p0 $0x0  }
0x98: {  	s28 =	simm.s32 @!p0 $0x9800;
	[sflag:s8] =	ssyncadd.s32 @!p0 $0xFFFFF000;
	s8 =	sadd.s32 @!p0 $0x800, s5  }
0x99: {  	[tilespmem:s28], [sflag:$0x4] =	stream.indirect.gather @!p0 [hbm4b:s3+s6], $0x20, s8, s6, $0xb8;
	[tilespmem:$0x13800] =	vst v63  }
0x9a: {  	_ =	swait.ge [sflag:s17], $0x1000  }
0x9b: {  	[sflag:s17] =	ssyncset.done $0x0  }
0x9c: {  	s28 =	sadd.s32 $0x3680, s1;
	s8 =	simm.s32 @p0 $0x7;
	[sflag:s17] =	ssyncadd.s32 $0xFFFFF000  }
0x9d: {  	[hbm4b:s4+s10] =	stream.indirect.scatter [tilespmem:s20], [sflag:$0x13], $0x20, s28, s10, $0xb8;
	[tilespmem:$0x13800] =	vst v63  }
0x9e: {  	_ =	swait.ge @p0 [sflag:s8], $0x1000  }
0x9f: {  	[sflag:s8] =	ssyncset.done @p0 $0x0  }
0xa0: {  	s28 =	simm.s32 @p0 $0xC800;
	[sflag:s8] =	ssyncadd.s32 @p0 $0xFFFFF000;
	s8 =	sadd.s32 @p0 $0x3700, s7  }
0xa1: {  	[hbm4b:s4+s2] =	stream.indirect.scatter @p0 [tilespmem:s28], [sflag:$0x14], $0x20, s8, s2, $0xb8;
	[tilespmem:$0x13800] =	vst v63  }
0xa2: {  	s8 =	simm.s32 @!p0 $0x12  }
0xa3: {  	_ =	swait.ge @!p0 [sflag:s8], $0x1000  }
0xa4: {  	[sflag:s8] =	ssyncset.done @!p0 $0x0  }
0xa5: {  	[sflag:s8] =	ssyncadd.s32 @!p0 $0xFFFFF000;
	s8 =	sadd.s32 @!p0 $0x880, s5  }
0xa6: {  	[tilespmem:s26], [sflag:$0x5] =	stream.indirect.gather @!p0 [hbm4b:s3+s6], $0x20, s8, s6, $0xb8;
	[tilespmem:$0x13800] =	vst v63  }
0xa7: {  	s8 =	simm.s32 @!p0 $0x7  }
0xa8: {  	_ =	swait.ge @!p0 [sflag:s8], $0x1000  }
0xa9: {  	[sflag:s8] =	ssyncset.done @!p0 $0x0  }
0xaa: {  	s26 =	simm.s32 @!p0 $0xC800;
	[sflag:s8] =	ssyncadd.s32 @!p0 $0xFFFFF000;
	s8 =	sadd.s32 @!p0 $0x3700, s5  }
0xab: {  	[hbm4b:s4+s6] =	stream.indirect.scatter @!p0 [tilespmem:s26], [sflag:$0x14], $0x20, s8, s6, $0xb8;
	[tilespmem:$0x13800] =	vst v63  }
0xac: {  	s8 =	simm.s32 @!p0 $0x13  }
0xad: {  	_ =	swait.ge @!p0 [sflag:s8], $0x1000  }
0xae: {  	[sflag:s8] =	ssyncset.done @!p0 $0x0  }
0xaf: {  	s28 =	simm.s32 @!p0 $0xB800;
	[sflag:s8] =	ssyncadd.s32 @!p0 $0xFFFFF000;
	s8 =	sadd.s32 @!p0 $0x900, s5  }
0xb0: {  	[tilespmem:s28], [sflag:$0x6] =	stream.indirect.gather @!p0 [hbm4b:s3+s6], $0x20, s8, s6, $0xb8;
	[tilespmem:$0x13800] =	vst v63  }
0xb1: {  	_ =	swait.ge [sflag:s18], $0x1000  }
0xb2: {  	[sflag:s18] =	ssyncset.done $0x0  }
0xb3: {  	s28 =	sadd.s32 $0x3780, s1;
	s8 =	simm.s32 @p0 $0x9;
	[sflag:s18] =	ssyncadd.s32 $0xFFFFF000  }
0xb4: {  	[hbm4b:s4+s10] =	stream.indirect.scatter [tilespmem:s24], [sflag:$0x15], $0x20, s28, s10, $0xb8;
	[tilespmem:$0x13800] =	vst v63  }
0xb5: {  	_ =	swait.ge @p0 [sflag:s8], $0x1000  }
0xb6: {  	[sflag:s8] =	ssyncset.done @p0 $0x0  }
0xb7: {  	s28 =	simm.s32 @p0 $0xE800;
	[sflag:s8] =	ssyncadd.s32 @p0 $0xFFFFF000;
	s8 =	sadd.s32 @p0 $0x3800, s7  }
0xb8: {  	[hbm4b:s4+s2] =	stream.indirect.scatter @p0 [tilespmem:s28], [sflag:$0x16], $0x20, s8, s2, $0xb8;
	[tilespmem:$0x13800] =	vst v63  }
0xb9: {  	s8 =	simm.s32 @!p0 $0x14  }
0xba: {  	_ =	swait.ge @!p0 [sflag:s8], $0x1000  }
0xbb: {  	[sflag:s8] =	ssyncset.done @!p0 $0x0  }
0xbc: {  	[sflag:s8] =	ssyncadd.s32 @!p0 $0xFFFFF000;
	s8 =	sadd.s32 @!p0 $0x980, s5  }
0xbd: {  	[tilespmem:s26], [sflag:$0x7] =	stream.indirect.gather @!p0 [hbm4b:s3+s6], $0x20, s8, s6, $0xb8;
	[tilespmem:$0x13800] =	vst v63  }
0xbe: {  	s8 =	simm.s32 @!p0 $0x9  }
0xbf: {  	_ =	swait.ge @!p0 [sflag:s8], $0x1000  }
0xc0: {  	[sflag:s8] =	ssyncset.done @!p0 $0x0  }
0xc1: {  	s26 =	simm.s32 @!p0 $0xE800;
	[sflag:s8] =	ssyncadd.s32 @!p0 $0xFFFFF000;
	s8 =	sadd.s32 @!p0 $0x3800, s5  }
0xc2: {  	[hbm4b:s4+s6] =	stream.indirect.scatter @!p0 [tilespmem:s26], [sflag:$0x16], $0x20, s8, s6, $0xb8;
	[tilespmem:$0x13800] =	vst v63  }
0xc3: {  	s8 =	simm.s32 @!p0 $0x15  }
0xc4: {  	_ =	swait.ge @!p0 [sflag:s8], $0x1000  }
0xc5: {  	[sflag:s8] =	ssyncset.done @!p0 $0x0  }
0xc6: {  	s28 =	simm.s32 @!p0 $0xD800;
	[sflag:s8] =	ssyncadd.s32 @!p0 $0xFFFFF000;
	s8 =	sadd.s32 @!p0 $0xA00, s5  }
0xc7: {  	[tilespmem:s28], [sflag:$0x8] =	stream.indirect.gather @!p0 [hbm4b:s3+s6], $0x20, s8, s6, $0xb8;
	[tilespmem:$0x13800] =	vst v63  }
0xc8: {  	_ =	swait.ge [sflag:s19], $0x1000  }
0xc9: {  	[sflag:s19] =	ssyncset.done $0x0  }
0xca: {  	s28 =	sadd.s32 $0x3880, s1;
	s8 =	simm.s32 @p0 $0xB;
	[sflag:s19] =	ssyncadd.s32 $0xFFFFF000  }
0xcb: {  	[hbm4b:s4+s10] =	stream.indirect.scatter [tilespmem:s29], [sflag:$0x17], $0x20, s28, s10, $0xb8;
	[tilespmem:$0x13800] =	vst v63  }
0xcc: {  	_ =	swait.ge @p0 [sflag:s8], $0x1000  }
0xcd: {  	[sflag:s8] =	ssyncset.done @p0 $0x0  }
0xce: {  	s7 =	sadd.s32 @p0 $0x3900, s7;
	[sflag:s8] =	ssyncadd.s32 @p0 $0xFFFFF000;
	s8 =	simm.s32 @p0 $0x10800  }
0xcf: {  	[hbm4b:s4+s2] =	stream.indirect.scatter @p0 [tilespmem:s8], [sflag:$0x18], $0x20, s7, s2, $0xb8;
	[tilespmem:$0x13800] =	vst v63  }
0xd0: {  	s2 =	simm.s32 @!p0 $0x16  }
0xd1: {  	_ =	swait.ge @!p0 [sflag:s2], $0x1000  }
0xd2: {  	[sflag:s2] =	ssyncset.done @!p0 $0x0  }
0xd3: {  	[sflag:s2] =	ssyncadd.s32 @!p0 $0xFFFFF000;
	s2 =	sadd.s32 @!p0 $0xA80, s5  }
0xd4: {  	[tilespmem:s26], [sflag:$0x9] =	stream.indirect.gather @!p0 [hbm4b:s3+s6], $0x20, s2, s6, $0xb8;
	[tilespmem:$0x13800] =	vst v63  }
0xd5: {  	s2 =	simm.s32 @!p0 $0xB  }
0xd6: {  	_ =	swait.ge @!p0 [sflag:s2], $0x1000  }
0xd7: {  	[sflag:s2] =	ssyncset.done @!p0 $0x0  }
0xd8: {  	s7 =	simm.s32 @!p0 $0x10800;
	[sflag:s2] =	ssyncadd.s32 @!p0 $0xFFFFF000;
	s2 =	sadd.s32 @!p0 $0x3900, s5  }
0xd9: {  	[hbm4b:s4+s6] =	stream.indirect.scatter @!p0 [tilespmem:s7], [sflag:$0x18], $0x20, s2, s6, $0xb8;
	[tilespmem:$0x13800] =	vst v63  }
0xda: {  	s2 =	simm.s32 @!p0 $0x17  }
0xdb: {  	_ =	swait.ge @!p0 [sflag:s2], $0x1000  }
0xdc: {  	[sflag:s2] =	ssyncset.done @!p0 $0x0  }
0xdd: {  	[sflag:s2] =	ssyncadd.s32 @!p0 $0xFFFFF000;
	s2 =	sadd.s32 @!p0 $0xB00, s5;
	s5 =	simm.s32 @!p0 $0xF800  }
0xde: {  	[tilespmem:s5], [sflag:$0xA] =	stream.indirect.gather @!p0 [hbm4b:s3+s6], $0x20, s2, s6, $0xb8;
	[tilespmem:$0x13800] =	vst v63  }
.Ltmp2:
0xdf: {  	_ = 	snop;
	(pc) =	sbr.rel @p0 .LBB2_4-.Ltmp2, $4  }
0xe0: {  	_ =	swait.ge [sflag:s21], $0x1000  }
0xe1: {  	[sflag:s21] =	ssyncset.done $0x0  }
0xe2: {  	s28 =	sadd.s32 $0x3980, s1;
	s2 =	sadd.s32 $0x3A00, s1;
	[sflag:s21] =	ssyncadd.s32 $0xFFFFF000  }
0xe3: {  	[hbm4b:s4+s10] =	stream.indirect.scatter [tilespmem:s0], [sflag:$0x19], $0x20, s28, s10, $0xb8;
	[tilespmem:$0x13800] =	vst v63  }
0xe4: {  	_ =	swait.ge [sflag:s23], $0x1000  }
0xe5: {  	[sflag:s23] =	ssyncset.done $0x0  }
0xe6: {  	s5 =	sadd.s32 $0xB80, s1;
	[sflag:s23] =	ssyncadd.s32 $0xFFFFF000  }
0xe7: {  	[tilespmem:s31], [sflag:$0xB] =	stream.indirect.gather [hbm4b:s3+s10], $0x20, s5, s10, $0xb8;
	[tilespmem:$0x13800] =	vst v63  }
0xe8: {  	_ =	swait.ge [sflag:s22], $0x1000  }
0xe9: {  	[sflag:s22] =	ssyncset.done $0x0  }
0xea: {  	[sflag:s22] =	ssyncadd.s32 $0xFFFFF000  }
0xeb: {  	[hbm4b:s4+s10] =	stream.indirect.scatter [tilespmem:s13], [sflag:$0x1A], $0x20, s2, s10, $0xb8;
	[tilespmem:$0x13800] =	vst v63  }
.Ltmp3:
0xec: {  	_ = 	snop;
	(pc) =	sbr.rel .LBB2_2-.Ltmp3, $4  }
0xed: {  	_ =	swait.ge [sflag:s25], $0x1000  }
0xee: {  	[sflag:s25] =	ssyncset.done $0x0  }
0xef: {  	s28 =	sadd.s32 $0xC00, s1;
	s30 =	sadd.s32 $0x1A00, s30;
	[sflag:s25] =	ssyncadd.s32 $0xFFFFF000  }
0xf0: {  	[tilespmem:s0], [sflag:$0xC] =	stream.indirect.gather [hbm4b:s3+s10], $0x20, s28, s10, $0xb8;
	[tilespmem:$0x13800] =	vst v63  }
.LBB2_5:
0xf1: {  	_ =	sfence.sel $0x180000  }
0xf2: {  	[bflag:$0x0] =	sbarrier.arrive $0xFFFF  }
0xf3: {  	_ =	strace $0x90000047  }
0xf4: {  	s0 =	stileid.u32;
	[bflag:$0x2] =	sbarrier.arrive $0xFFFF  }
0xf5: {  	p0 =	sne.s32 s0, $0x0;
	s0 =	rddreg [dreg:$0x2]  }
0xf6: {  	s0 =	sadd.s32 @!p0 $0x100000, s0  }
0xf7: {  	[sflag:s0] =	ssyncadd.tile.s32 @!p0 $0x1;
	_ =	shalt  }
.Lfunc_end2:
_tile_overlayer_lowered:
.L_overlay_start_2:
0xf8: {  	(tag) =	ssettag $0x2  }
0xf9: {  	s0 =	rddreg [dreg:$0x0];
	s2 =	stileid.u32  }
0xfa: {  	s1 =	rddreg [dreg:$0x1];
	p0 =	sne.s32 s2, $0x0  }
0xfb: {  	s3 =	rddreg [dreg:$0x2];
	[bflag:$0x3] =	sbarrier.arrive $0xFFFF;
	s2 =	simm.s32 @!p0 $0x1C1B  }
0xfc: {  	[timem:s3], [sflag:s2] =	dma.local @!p0 [hbm:s0], s1  }
0xfd: {  	s0 =	simm.s32 @!p0 $0x1B  }
0xfe: {  	_ =	swait.ge @!p0 [sflag:s0], s1  }
0xff: {  	s1 =	ssub.s32 @!p0 $0x0, s1;
	[sflag:s0] =	ssyncset.done @!p0 $0x0  }
0x100: {  	[sflag:s0] =	ssyncadd.s32 @!p0 s1  }
0x101: {  	[bflag:$0x3] =	sbarrier.arrive $0xFFFF  }
0x102: {  	_ =	shalt  }

// kernel: sparse-core-data-format-call.cloned.1.call-start
scs
called_computation_lowered:
.L_overlay_start_0:
0x0: {  	s2 =	sld [smem:$0x3FD9]  }
0x1: {  	s3 =	sld [smem:$0x3FFE];
	_ =	sdelay $0x1  }
0x2: {  	s1 =	srdreg.scid  }
0x3: {  	s0 =	sand.u32 $0x1, s1  }
0x4: {  	s18 =	sshll.u32 s0, $0xA;
	s2 =	sadd.s32 s3, s2  }
0x5: {  	s2 =	sadd.s32 s2, s18  }
0x6: {  	[smem:$0x3FC6] =	sst s2  }
0x7: {  	_ = 	snop  }
0x8: {  	s2 =	sld [smem:$0x3FD0];
	(tm) =	ssettm $0x1  }
0x9: {  	s19 =	sld [smem:$0x3FFB];
	_ =	sdelay $0x3  }
0xa: {  	_ =	strace s19  }
0xb: {  	s3 =	sld [smem:$0x3FFC];
	_ =	sdelay $0x3  }
0xc: {  	_ =	strace s3  }
0xd: {  	s3 =	sld [smem:$0x3FFD];
	_ =	sdelay $0x3  }
0xe: {  	_ =	strace s3  }
0xf: {  	_ =	strace $0x8FFFFFFF  }
0x10: {  	s20 =	sld [smem:$0x3FDB];
	_ =	sdelay $0x1  }
0x11: {  	s4 =	simm.s32 $_scs_section_size  }
0x12: {  	s5 =	simm.s32 $_size__tile_overlayer_lowered;
	s6 =	simm.s32 $_tile_overlayer_lowered  }
0x13: {  	s23 =	simm.s32 $0x1BFF;
	s22 =	sshll.u32 s6, $0x1;
	s3 =	sadd.s32 s4, s20  }
0x14: {  	s7 =	simm.s32 $0x0;
	s21 =	sshll.u32 s5, $0x1;
	s5 =	sadd.s32 s22, s3  }
0x15: {  	[timem:s7], [sflag:s23] =	dma.local [hbm:s5], s21  }
0x16: {  	_ =	swait.ge [sflag:s23], s21  }
0x17: {  	s4 =	ssub.s32 $0x0, s21;
	[sflag:s23] =	ssyncset.done $0x0  }
0x18: {  	[sflag:s23] =	ssyncadd.s32 s4;
	_ =	sdelay $0x1  }
0x19: {  	s24 =	simm.s32 $0x1B8B  }
0x1a: {  	_ =	swait.ge [sflag:s24], $0x1  }
0x1b: {  	[sflag:s24] =	ssyncset.done $0x0  }
0x1c: {  	s26 =	simm.s32 $0x1B8E;
	s25 =	sld [smem:$0x3FFE];
	[sflag:s24] =	ssyncadd.s32 $0xFFFFFFFF  }
0x1d: {  	s27 =	simm.s32 $execute0_lowered;
	[smem:$0x3FD2] =	sst s26  }
0x1e: {  	s5 =	sshll.u32 s27, $0x1;
	_ =	strace $0x80000049;
	[dreg:$0x1] =	wrdreg $0xFFFFFFFF  }
0x1f: {  	s28 =	simm.s32 $_size_execute0_lowered;
	s3 =	sadd.s32 s3, s5;
	[dreg:$0x0] =	wrdreg $0x0  }
0x20: {  	s5 =	sshll.u32 s28, $0x1;
	[dreg:$0x2] =	wrdreg s3  }
0x21: {  	[dreg:$0x3] =	wrdreg s5  }
0x22: {  	[dreg:$0x4] =	wrdreg $0xC0  }
0x23: {  	_ =	task [dreg:s7], $0x5FFFF  }
0x24: {  	[dreg:$0x1] =	wrdreg $0xFFFFFFFF  }
0x25: {  	[dreg:$0x0] =	wrdreg $0x60  }
0x26: {  	[dreg:$0x2] =	wrdreg s25  }
0x27: {  	[dreg:$0x3] =	wrdreg s2  }
0x28: {  	[dreg:$0x4] =	wrdreg $0x9  }
0x29: {  	_ =	task.clear_ibuf [dreg:s7], $0x5FFFF;
	_ =	strace $0x90000049  }
0x2a: {  	s29 =	simm.s32 $0x9;
	_ =	strace $0x8000004B  }
0x2b: {  	_ =	swait.ge [sflag:s29], $0x1  }
0x2c: {  	[sflag:s29] =	ssyncadd.s32 $0xFFFFFFFF  }
0x2d: {  	_ =	strace $0x9000004B  }
0x2e: {  	_ =	sfence  }
0x2f: {  	s30 =	sld [smem:$0x0];
	_ =	sdelay $0x2  }
0x30: {  	s31 =	sshll.u32 s1, $0xD;
	s1 =	sshrl.u32 s1, $0x2  }
0x31: {  	s3 =	sand.u32 $0x4000, s31;
	s1 =	sadd.s32 s1, s30  }
0x32: {  	s0 =	sor.u32 s3, s0;
	s1 =	sshll.u32 s1, $0x11  }
0x33: {  	s0 =	sor.u32 s1, s0  }
0x34: {  	s0 =	sadd.s32 $0x8F2B, s0  }
0x35: {  	[sflag:s0] =	ssyncadd.remote.s32 $0x1  }
0x36: {  	_ =	sfence.sel $0xFFFF  }
0x37: {  	[dreg:$0x0] =	wrdreg $0xFFFFFFFF;
	(pc) =	sbr.abs _section_cstart, $3  }
0x38: {  	[dreg:$0x1] =	wrdreg $0xFFFFFFFF  }
0x39: {  	_ =	task.clear_ibuf [dreg:s7], $0x2FFFF;
	_ =	strace $0x9FFFFFFF  }
0x3a: {  	(tm) =	ssettm $0x7FFFFFFF  }
0x3b: {  	_ =	shalt  }
tec
execute0_lowered:
.L_overlay_start_1:
0x0: {  	(tag) =	ssettag $0x1  }
0x1: {  	s0 =	srdreg.scid  }
0x2: {  	s1 =	sshll.u32 s0, $0x4  }
0x3: {  	s0 =	stileid.u32;
	s1 =	sand.u32 $0x10, s1  }
0x4: {  	s1 =	sor.u32 s0, s1  }
0x5: {  	s6 =	rddreg [dreg:$0x0];
	s4 =	simm.s32 $0x1;
	s2 =	sshll.u32 s1, $0x7  }
0x6: {  	s7 =	simm.s32 $0x2;
	s12 =	simm.s32 $0x0;
	s1 =	ssub.s32 $0x4000, s2  }
0x7: {  	s8 =	simm.s32 $0x20000;
	s13 =	simm.s32 $0x0;
	s3 =	sand.u32 $0xF80, s1  }
0x8: {  	s9 =	simm.s32 $0x0;
	s5 =	sshrl.u32 s1, $0xC;
	p0 =	sne.s32 s3, $0x0  }
.Ltmp0:
0x9: {  	s1 =	rddreg [dreg:$0x2];
	s4 =	simm.s32 @!p0 $0x0;
	(pc) =	sbr.rel .LBB1_1-.Ltmp0, $4  }
0xa: {  	s11 =	simm.s32 $0x0;
	s3 =	rddreg [dreg:$0x1];
	s5 =	sadd.s32 s4, s5  }
0xb: {  	_ =	strace $0x8000004A;
	s4 =	simm.s32 $0x1;
	s5 =	smul.u32 $0x1A, s5  }
0xc: {  	s6 =	sadd.s32 $0xDC00, s6;
	s10 =	smov.u32 s2;
	[sflag:s4] =	ssyncpa.u1 $0x0  }
0xd: {  	p0 =	por $0x0, $0x0;
	[sflag:s7] =	ssyncpa.u1 $0x0;
	s7 =	sor.u32 $0x1, s5  }
.LBB1_4:
0xe: {  	s16 =	sshll.u32 s13, $0x3;
	s17 =	sand.u32 $0x78, s13  }
0xf: {  	s30 =	sand.u32 $0xF800, s13;
	s12 =	sshll.u32 s12, $0x10;
	s16 =	sand.u32 $0x3C00, s16  }
0x10: {  	s31 =	sand.u32 $0x7, s13;
	s16 =	sor.u32 s17, s16;
	s17 =	sadd.s32 s3, s30  }
0x11: {  	s13 =	sshll.u32 s31, $0x12;
	s16 =	sshrl.u32 s16, $0x3;
	s12 =	sadd.s32 s12, s17  }
0x12: {  	[tilespmem:s15+$0x0 ss:$0x81] =	vst.msk $0xffff, v0;
	s13 =	sor.u32 $0x400, s13;
	s12 =	sadd.s32 s16, s12  }
0x13: {  	[hbm4b:s12+s13] =	stream.strided.scatter [tilespmem:s14], [sflag:$0x2], $0x1000, s8, s13, $0x20;
	[tilespmem:$0x4040] =	vst v63  }
.LBB1_5:
0x14: {  	s14 =	sadd.s32 $0x1, s9  }
0x15: {  	s12 =	sadd.s32 $0x1000, s10;
	s16 =	smov.u32 s10;
	p2 =	sgt.s32 s14, $0x19  }
0x16: {  	s16 =	smov.u32 @p2 s12  }
0x17: {  	s14 =	simm.s32 @p2 $0x0;
	p2 =	sgt.s32 s16, $0x3FFF  }
0x18: {  	s16 =	smov.u32 @p2 s2;
	p2 =	sne.s32 s11, s7  }
.Ltmp1:
0x19: {  	p1 =	slt.u32 s11, $0x2;
	(pc) =	sbr.rel @!p2 .LBB1_6-.Ltmp1, $4  }
0x1a: {  	s15 =	simm.s32 @!p1 $0x2  }
0x1b: {  	s13 =	smov.u32 s10;
	p0 =	por !p0, !p0;
	_ =	swait.ge @!p1 [sflag:s15], $0x1000  }
0x1c: {  	s12 =	smov.u32 s9;
	[sflag:s15] =	ssyncset.done @!p1 $0x0;
	s9 =	smov.u32 s14  }
0x1d: {  	s11 =	sadd.s32 $0x1, s11;
	[sflag:s15] =	ssyncadd.s32 @!p1 $0xFFFFF000;
	s10 =	smov.u32 s16  }
.LBB1_1:
0x1e: {  	p1 =	sge.u32 s11, s5  }
0x1f: {  	s31 =	sadd.s32 $0xFFFFFFFF, s11;
	s14 =	sxor.u32 @!p1 $0xFFFFFFFF, s11  }
0x20: {  	s15 =	sshll.u32 @!p1 s10, $0x9;
	s16 =	sshll.u32 @!p1 s9, $0x4;
	s17 =	simm.s32 @!p1 $0x1000  }
0x21: {  	s14 =	sshll.u32 @!p1 s14, $0xC;
	s16 =	sand.u32 @!p1 $0x1F0, s16;
	s15 =	sadd.s32 @!p1 s6, s15  }
0x22: {  	s14 =	sand.u32 @!p1 $0x1000, s14;
	s15 =	sadd.s32 @!p1 s16, s15;
	s16 =	simm.s32 @!p1 $0x20  }
0x23: {  	[tilespmem:s14], [sflag:$0x1] =	stream.strided.gather @!p1 [hbm4b:s15+s16], $0x1000, s17, s16, $0x38;
	[tilespmem:$0x4040] =	vst v63  }
0x24: {  	p1 =	sge.u32 s31, s5  }
.Ltmp2:
0x25: {  	_ = 	snop;
	(pc) =	sbr.rel @p1 .LBB1_5-.Ltmp2, $1  }
0x26: {  	_ =	sdelay $0x3  }
0x27: {  	s14 =	simm.s32 $0x1  }
0x28: {  	_ =	swait.ge [sflag:s4], $0x1000;
	s14 =	simm.s32 @!p0 $0x0  }
0x29: {  	[sflag:s4] =	ssyncset.done $0x0;
	s15 =	sshll.u32 s14, $0xC  }
0x2a: {  	[sflag:s4] =	ssyncadd.s32 $0xFFFFF000;
	s18 =	sor.u32 $0x10, s15  }
0x2b: {  	s14 =	smul.u32 $0x4080, s14;
	v1 =	vld [tilespmem:s18+$0x0]  }
0x2c: {  	s30 =	sand.u32 $0x1, s11;
	v0 =	vld [tilespmem:s18+$0xFFFFFFF0]  }
0x2d: {  	s15 =	smul.u32 $0x4080, s30;
	s14 =	sshrl.u32 s14, $0x2  }
0x2e: {  	s16 =	sor.u32 $0x2000, s14  }
0x2f: {  	s31 =	sshrl.u32 s15, $0x2;
	s15 =	sadd.s32 $0x0, s16  }
0x30: {  	s17 =	simm.s32 $0x4;
	s18 =	sadd.s32 $0x20, s18;
	s14 =	sor.u32 $0x2000, s31;
	[tilespmem:s15+$0x810 ss:$0x81] =	vst.msk $0xffff, v1  }
.LBB1_3:
0x31: {  	v1 =	vld [tilespmem:s18+$0x0];
	p1 =	sne.s32 s17, $0x1FC;
	[tilespmem:s15+$0x0 ss:$0x81] =	vst.msk $0xffff, v0;
	s15 =	smov.u32 s17;
	s17 =	sadd.s32 $0x4, s17  }
.Ltmp3:
0x32: {  	v0 =	vld [tilespmem:s18+$0xFFFFFFF0];
	(pc) =	sbr.rel @p1 .LBB1_3-.Ltmp3, $4  }
0x33: {  	_ = 	snop  }
0x34: {  	s15 =	sshra.s32 s15, $0x2  }
0x35: {  	s15 =	sadd.s32 s15, s16  }
0x36: {  	s18 =	sadd.s32 $0x20, s18;
	[tilespmem:s15+$0x810 ss:$0x81] =	vst.msk $0xffff, v1  }
.Ltmp4:
0x37: {  	_ = 	snop;
	(pc) =	sbr.rel .LBB1_4-.Ltmp4, $1  }
0x38: {  	_ =	sdelay $0x3  }
.LBB1_6:
0x39: {  	_ =	sfence.sel $0x180000  }
0x3a: {  	s2 =	simm.s32 $0x1;
	[bflag:$0x0] =	sbarrier.arrive $0xFFFF  }
0x3b: {  	s31 =	simm.s32 $0x2;
	[sflag:s2] =	ssyncpa.u1 $0x1  }
0x3c: {  	[sflag:s31] =	ssyncpa.u1 $0x1  }
0x3d: {  	p0 =	sne.s32 s0, $0x0;
	_ =	strace $0x9000004A  }
0x3e: {  	s0 =	sadd.s32 @!p0 $0x100000, s1;
	[bflag:$0x2] =	sbarrier.arrive $0xFFFF  }
0x3f: {  	[sflag:s0] =	ssyncadd.tile.s32 @!p0 $0x1;
	_ =	shalt  }
.Lfunc_end1:
_tile_overlayer_lowered:
.L_overlay_start_2:
0x40: {  	(tag) =	ssettag $0x2  }
0x41: {  	s0 =	rddreg [dreg:$0x0];
	s2 =	stileid.u32  }
0x42: {  	s1 =	rddreg [dreg:$0x1];
	p0 =	sne.s32 s2, $0x0  }
0x43: {  	s3 =	rddreg [dreg:$0x2];
	[bflag:$0x3] =	sbarrier.arrive $0xFFFF;
	s2 =	simm.s32 @!p0 $0x1C01  }
0x44: {  	[timem:s3], [sflag:s2] =	dma.local @!p0 [hbm:s0], s1  }
0x45: {  	s0 =	simm.s32 @!p0 $0x1  }
0x46: {  	_ =	swait.ge @!p0 [sflag:s0], s1  }
0x47: {  	s1 =	ssub.s32 @!p0 $0x0, s1;
	[sflag:s0] =	ssyncset.done @!p0 $0x0  }
0x48: {  	[sflag:s0] =	ssyncadd.s32 @!p0 s1  }
0x49: {  	[bflag:$0x3] =	sbarrier.arrive $0xFFFF  }
0x4a: {  	_ =	shalt  }

</sc_bundles>
